<compile_context>
chip_gen: v7x
topology: tpu7x:2x2x1
jax: 0.10.2.dev20260603
libtpu: 0.0.44.dev20260713+nightly
codegen_flags: <defaults>
</compile_context>

<pallas_src>
import functools

import jax
import jax.numpy as jnp
from jax import lax
from jax.experimental import pallas as pl
from jax.experimental.pallas import tpu as pltpu
from jax.experimental.pallas import tpu_sc as plsc

_NUM_SAMPLES = 128
_NEAR = 0.1
_FAR = 100.0
_STEP = (_FAR - _NEAR) / (_NUM_SAMPLES - 1)
_BN = 4096
_BUF = 256


def _tc_body(o_ref, d_ref, pos_ref, view_ref):
    o = jnp.transpose(o_ref[:])
    d = jnp.transpose(d_ref[:])
    dn = d / (jnp.sqrt(jnp.sum(d * d, axis=1, keepdims=True)) + 1e-8)
    lane = jax.lax.broadcasted_iota(jnp.int32, (1, _NUM_SAMPLES), 1)
    depth_row = _NEAR + lane.astype(jnp.float32) * _STEP
    for c in range(3):
        oc = o[:, c : c + 1]
        dc = dn[:, c : c + 1]
        pos_ref[c] = oc + dc * depth_row
        view_ref[c] = jnp.broadcast_to(dc, (_BN, _NUM_SAMPLES))


def _sc_body(n_rows, dep_hbm, del_hbm, dep_buf, del_buf, sem):
    info = plsc.get_sparse_core_info()
    nw = info.num_cores * info.num_subcores
    wid = lax.axis_index("s") * info.num_cores + lax.axis_index("c")
    rows = n_rows // nw
    dep_vals = []
    for j in range(_NUM_SAMPLES // 16):
        idx = lax.iota(jnp.int32, 16) + 16 * j
        dep_vals.append(_NEAR + idx.astype(jnp.float32) * _STEP)
    del_val = jnp.full((16,), _STEP, jnp.float32)

    def _fill(i, carry):
        for j in range(_NUM_SAMPLES // 16):
            dep_buf[i, pl.ds(16 * j, 16)] = dep_vals[j]
            del_buf[i, pl.ds(16 * j, 16)] = del_val
        return carry

    lax.fori_loop(0, _BUF, _fill, 0)
    base = wid * rows
    handles = []
    for t in range(rows // _BUF):
        handles.append(
            pltpu.async_copy(dep_buf, dep_hbm.at[pl.ds(base + t * _BUF, _BUF)], sem))
        handles.append(
            pltpu.async_copy(del_buf, del_hbm.at[pl.ds(base + t * _BUF, _BUF)], sem))
    for h in handles:
        h.wait()


@jax.jit
def kernel(origins, directions):
    n, _ = origins.shape
    s = _NUM_SAMPLES
    grid = (n // _BN,)
    pos3, view3 = pl.pallas_call(
        _tc_body,
        grid=grid,
        in_specs=[
            pl.BlockSpec((3, _BN), lambda i: (0, i)),
            pl.BlockSpec((3, _BN), lambda i: (0, i)),
        ],
        out_specs=[
            pl.BlockSpec((3, _BN, s), lambda i: (0, i, 0)),
            pl.BlockSpec((3, _BN, s), lambda i: (0, i, 0)),
        ],
        out_shape=[
            jax.ShapeDtypeStruct((3, n, s), jnp.float32),
            jax.ShapeDtypeStruct((3, n, s), jnp.float32),
        ],
    )(origins.T, directions.T)
    sc_const = functools.partial(
        pl.kernel,
        out_type=[
            jax.ShapeDtypeStruct((n, s), jnp.float32),
            jax.ShapeDtypeStruct((n, s), jnp.float32),
        ],
        mesh=plsc.VectorSubcoreMesh(core_axis_name="c", subcore_axis_name="s"),
        scratch_types=[
            pltpu.VMEM((_BUF, s), jnp.float32),
            pltpu.VMEM((_BUF, s), jnp.float32),
            pltpu.SemaphoreType.DMA,
        ],
    )(functools.partial(_sc_body, n))
    depths, deltas = sc_const()
    positions = pos3.transpose(1, 2, 0)
    view_directions = view3.transpose(1, 2, 0)
    return positions, view_directions, depths, deltas

# --- scband reference (transcript-rebuilt; emitter-appended) ---
"""Pipeline reference for scband-ray-sampler-74809740362343 (READ-ONLY COPY).

The authoritative reference and input builder live on the scoring server;
editing this copy changes nothing except your own understanding.
"""

import jax, jax.numpy as jnp
import numpy as np

NUM_SAMPLES = 128
NEAR = 0.1
FAR = 100.0
NUM_RAYS = 65536


def setup_inputs(seed: int = 0) -> dict:
    key = jax.random.key(seed)
    k1, k2 = jax.random.split(key)
    origins = jax.random.normal(k1, (NUM_RAYS, 3), dtype=jnp.float32)
    directions = jax.random.normal(k2, (NUM_RAYS, 3), dtype=jnp.float32)
    return {"origins": origins, "directions": directions}


def reference(origins, directions):
    # Uniform (non-stratified) depth sampling along each ray, as in
    # RaySampler.forward with stratified=False.
    N = origins.shape[0]
    S = NUM_SAMPLES
    # normalize ray directions for view directions
    dirs_n = directions / (jnp.linalg.norm(directions, axis=-1, keepdims=True) + 1e-8)
    # evenly spaced depths in [near, far]
    t = jnp.linspace(0.0, 1.0, S, dtype=jnp.float32)
    depths_1d = NEAR * (1.0 - t) + FAR * t
    depths = jnp.broadcast_to(depths_1d[None, :], (N, S))
    # positions along each ray: o + d * t   -> [N, S, 3]
    positions = origins[:, None, :] + dirs_n[:, None, :] * depths[:, :, None]
    # per-sample view directions (broadcast of normalized ray dir) -> [N, S, 3]
    view_directions = jnp.broadcast_to(dirs_n[:, None, :], (N, S, 3))
    # deltas between consecutive depths; last delta repeats the previous one
    d = depths[:, 1:] - depths[:, :-1]
    deltas = jnp.concatenate([d, d[:, -1:]], axis=1)
    return positions, view_directions, depths, deltas

if __name__ == "__main__":
    import jax
    _d = setup_inputs()
    print(jax.jit(kernel)(*tuple(_d.values())))

</pallas_src>

<mosaic_0001>
#map = affine_map<(d0, d1) -> (0, 0)>
module attributes {stable_mosaic.version = 14 : i64} {
  func.func @_sc_body(%arg0: i32, %arg1: i32, %arg2: memref<65536x128xf32, #tpu.memory_space<hbm>>, %arg3: memref<65536x128xf32, #tpu.memory_space<hbm>>, %arg4: memref<256x128xf32, #tpu.memory_space<vmem>>, %arg5: memref<256x128xf32, #tpu.memory_space<vmem>>, %arg6: memref<!tpu.dma_semaphore, #tpu.memory_space<semaphore_mem>>) attributes {dimension_semantics = [#tpu.dimension_semantics<core_parallel>, #tpu.dimension_semantics<subcore_parallel>], iteration_bounds = array<i64: 2, 16>, scalar_prefetch = 0 : i64, scratch_operands = 3 : i64, tpu.core_type = #tpu.core_type<sc_vector_subcore>, window_params = [{transform_indices = #map}, {transform_indices = #map}]} {
    %mul3A = arith.constant 2 : i32
    %mul3A_0 = arith.muli %arg1, %mul3A : i32
    %add3A = arith.addi %mul3A_0, %arg0 : i32
    %iota3A = tpu.iota {dimensions = array<i32: 0>} : vector<16xi32>
    %add3A_1 = arith.constant 0 : i32
    %add3A_2 = vector.broadcast %add3A_1 : i32 to vector<16xi32>
    %add3A_3 = arith.addi %iota3A, %add3A_2 : vector<16xi32>
    %convert_element_type3A = arith.sitofp %add3A_3 : vector<16xi32> to vector<16xf32>
    %mul3A_4 = arith.constant 0.78661418 : f32
    %mul3A_5 = vector.broadcast %mul3A_4 : f32 to vector<16xf32>
    %mul3A_6 = arith.mulf %convert_element_type3A, %mul3A_5 : vector<16xf32>
    %add3A_7 = arith.constant 1.000000e-01 : f32
    %add3A_8 = vector.broadcast %add3A_7 : f32 to vector<16xf32>
    %add3A_9 = arith.addf %add3A_8, %mul3A_6 : vector<16xf32>
    %iota3A_10 = tpu.iota {dimensions = array<i32: 0>} : vector<16xi32>
    %add3A_11 = arith.constant 16 : i32
    %add3A_12 = vector.broadcast %add3A_11 : i32 to vector<16xi32>
    %add3A_13 = arith.addi %iota3A_10, %add3A_12 : vector<16xi32>
    %convert_element_type3A_14 = arith.sitofp %add3A_13 : vector<16xi32> to vector<16xf32>
    %mul3A_15 = arith.constant 0.78661418 : f32
    %mul3A_16 = vector.broadcast %mul3A_15 : f32 to vector<16xf32>
    %mul3A_17 = arith.mulf %convert_element_type3A_14, %mul3A_16 : vector<16xf32>
    %add3A_18 = arith.constant 1.000000e-01 : f32
    %add3A_19 = vector.broadcast %add3A_18 : f32 to vector<16xf32>
    %add3A_20 = arith.addf %add3A_19, %mul3A_17 : vector<16xf32>
    %iota3A_21 = tpu.iota {dimensions = array<i32: 0>} : vector<16xi32>
    %add3A_22 = arith.constant 32 : i32
    %add3A_23 = vector.broadcast %add3A_22 : i32 to vector<16xi32>
    %add3A_24 = arith.addi %iota3A_21, %add3A_23 : vector<16xi32>
    %convert_element_type3A_25 = arith.sitofp %add3A_24 : vector<16xi32> to vector<16xf32>
    %mul3A_26 = arith.constant 0.78661418 : f32
    %mul3A_27 = vector.broadcast %mul3A_26 : f32 to vector<16xf32>
    %mul3A_28 = arith.mulf %convert_element_type3A_25, %mul3A_27 : vector<16xf32>
    %add3A_29 = arith.constant 1.000000e-01 : f32
    %add3A_30 = vector.broadcast %add3A_29 : f32 to vector<16xf32>
    %add3A_31 = arith.addf %add3A_30, %mul3A_28 : vector<16xf32>
    %iota3A_32 = tpu.iota {dimensions = array<i32: 0>} : vector<16xi32>
    %add3A_33 = arith.constant 48 : i32
    %add3A_34 = vector.broadcast %add3A_33 : i32 to vector<16xi32>
    %add3A_35 = arith.addi %iota3A_32, %add3A_34 : vector<16xi32>
    %convert_element_type3A_36 = arith.sitofp %add3A_35 : vector<16xi32> to vector<16xf32>
    %mul3A_37 = arith.constant 0.78661418 : f32
    %mul3A_38 = vector.broadcast %mul3A_37 : f32 to vector<16xf32>
    %mul3A_39 = arith.mulf %convert_element_type3A_36, %mul3A_38 : vector<16xf32>
    %add3A_40 = arith.constant 1.000000e-01 : f32
    %add3A_41 = vector.broadcast %add3A_40 : f32 to vector<16xf32>
    %add3A_42 = arith.addf %add3A_41, %mul3A_39 : vector<16xf32>
    %iota3A_43 = tpu.iota {dimensions = array<i32: 0>} : vector<16xi32>
    %add3A_44 = arith.constant 64 : i32
    %add3A_45 = vector.broadcast %add3A_44 : i32 to vector<16xi32>
    %add3A_46 = arith.addi %iota3A_43, %add3A_45 : vector<16xi32>
    %convert_element_type3A_47 = arith.sitofp %add3A_46 : vector<16xi32> to vector<16xf32>
    %mul3A_48 = arith.constant 0.78661418 : f32
    %mul3A_49 = vector.broadcast %mul3A_48 : f32 to vector<16xf32>
    %mul3A_50 = arith.mulf %convert_element_type3A_47, %mul3A_49 : vector<16xf32>
    %add3A_51 = arith.constant 1.000000e-01 : f32
    %add3A_52 = vector.broadcast %add3A_51 : f32 to vector<16xf32>
    %add3A_53 = arith.addf %add3A_52, %mul3A_50 : vector<16xf32>
    %iota3A_54 = tpu.iota {dimensions = array<i32: 0>} : vector<16xi32>
    %add3A_55 = arith.constant 80 : i32
    %add3A_56 = vector.broadcast %add3A_55 : i32 to vector<16xi32>
    %add3A_57 = arith.addi %iota3A_54, %add3A_56 : vector<16xi32>
    %convert_element_type3A_58 = arith.sitofp %add3A_57 : vector<16xi32> to vector<16xf32>
    %mul3A_59 = arith.constant 0.78661418 : f32
    %mul3A_60 = vector.broadcast %mul3A_59 : f32 to vector<16xf32>
    %mul3A_61 = arith.mulf %convert_element_type3A_58, %mul3A_60 : vector<16xf32>
    %add3A_62 = arith.constant 1.000000e-01 : f32
    %add3A_63 = vector.broadcast %add3A_62 : f32 to vector<16xf32>
    %add3A_64 = arith.addf %add3A_63, %mul3A_61 : vector<16xf32>
    %iota3A_65 = tpu.iota {dimensions = array<i32: 0>} : vector<16xi32>
    %add3A_66 = arith.constant 96 : i32
    %add3A_67 = vector.broadcast %add3A_66 : i32 to vector<16xi32>
    %add3A_68 = arith.addi %iota3A_65, %add3A_67 : vector<16xi32>
    %convert_element_type3A_69 = arith.sitofp %add3A_68 : vector<16xi32> to vector<16xf32>
    %mul3A_70 = arith.constant 0.78661418 : f32
    %mul3A_71 = vector.broadcast %mul3A_70 : f32 to vector<16xf32>
    %mul3A_72 = arith.mulf %convert_element_type3A_69, %mul3A_71 : vector<16xf32>
    %add3A_73 = arith.constant 1.000000e-01 : f32
    %add3A_74 = vector.broadcast %add3A_73 : f32 to vector<16xf32>
    %add3A_75 = arith.addf %add3A_74, %mul3A_72 : vector<16xf32>
    %iota3A_76 = tpu.iota {dimensions = array<i32: 0>} : vector<16xi32>
    %add3A_77 = arith.constant 112 : i32
    %add3A_78 = vector.broadcast %add3A_77 : i32 to vector<16xi32>
    %add3A_79 = arith.addi %iota3A_76, %add3A_78 : vector<16xi32>
    %convert_element_type3A_80 = arith.sitofp %add3A_79 : vector<16xi32> to vector<16xf32>
    %mul3A_81 = arith.constant 0.78661418 : f32
    %mul3A_82 = vector.broadcast %mul3A_81 : f32 to vector<16xf32>
    %mul3A_83 = arith.mulf %convert_element_type3A_80, %mul3A_82 : vector<16xf32>
    %add3A_84 = arith.constant 1.000000e-01 : f32
    %add3A_85 = vector.broadcast %add3A_84 : f32 to vector<16xf32>
    %add3A_86 = arith.addf %add3A_85, %mul3A_83 : vector<16xf32>
    %broadcast_in_dim3A = arith.constant 0.78661418 : f32
    %broadcast_in_dim3A_87 = vector.broadcast %broadcast_in_dim3A : f32 to vector<16xf32>
    %scan3A = arith.constant 0 : i32
    %scan3A_88 = arith.constant 0 : i32
    %scan3A_89 = arith.constant 256 : i32
    %scan3A_90 = arith.addi %scan3A_88, %scan3A_89 : i32
    %scan3A_91 = arith.constant 1 : i32
    scf.for %scan3A_253 = %scan3A_88 to %scan3A_90 step %scan3A_91  : i32 {
      %swap3A = arith.index_cast %scan3A_253 : i32 to index
      %swap3A_254 = arith.constant 0 : index
      %swap3A_255 = tpu.vector_load %arg4[%swap3A, %swap3A_254] {strides = array<i32>} : memref<256x128xf32, #tpu.memory_space<vmem>>, vector<1x16xf32>,
      %swap3A_256 = vector.shape_cast %swap3A_255 : vector<1x16xf32> to vector<16xf32>
      %swap3A_257 = vector.shape_cast %add3A_9 : vector<16xf32> to vector<1x16xf32>
      tpu.vector_store %arg4[%swap3A, %swap3A_254], %swap3A_257 {strides = array<i32>} : memref<256x128xf32, #tpu.memory_space<vmem>>, vector<1x16xf32>,
      %swap3A_258 = arith.index_cast %scan3A_253 : i32 to index
      %swap3A_259 = arith.constant 0 : index
      %swap3A_260 = tpu.vector_load %arg5[%swap3A_258, %swap3A_259] {strides = array<i32>} : memref<256x128xf32, #tpu.memory_space<vmem>>, vector<1x16xf32>,
      %swap3A_261 = vector.shape_cast %swap3A_260 : vector<1x16xf32> to vector<16xf32>
      %swap3A_262 = vector.shape_cast %broadcast_in_dim3A_87 : vector<16xf32> to vector<1x16xf32>
      tpu.vector_store %arg5[%swap3A_258, %swap3A_259], %swap3A_262 {strides = array<i32>} : memref<256x128xf32, #tpu.memory_space<vmem>>, vector<1x16xf32>,
      %swap3A_263 = arith.index_cast %scan3A_253 : i32 to index
      %swap3A_264 = arith.constant 16 : index
      %swap3A_265 = tpu.vector_load %arg4[%swap3A_263, %swap3A_264] {strides = array<i32>} : memref<256x128xf32, #tpu.memory_space<vmem>>, vector<1x16xf32>,
      %swap3A_266 = vector.shape_cast %swap3A_265 : vector<1x16xf32> to vector<16xf32>
      %swap3A_267 = vector.shape_cast %add3A_20 : vector<16xf32> to vector<1x16xf32>
      tpu.vector_store %arg4[%swap3A_263, %swap3A_264], %swap3A_267 {strides = array<i32>} : memref<256x128xf32, #tpu.memory_space<vmem>>, vector<1x16xf32>,
      %swap3A_268 = arith.index_cast %scan3A_253 : i32 to index
      %swap3A_269 = arith.constant 16 : index
      %swap3A_270 = tpu.vector_load %arg5[%swap3A_268, %swap3A_269] {strides = array<i32>} : memref<256x128xf32, #tpu.memory_space<vmem>>, vector<1x16xf32>,
      %swap3A_271 = vector.shape_cast %swap3A_270 : vector<1x16xf32> to vector<16xf32>
      %swap3A_272 = vector.shape_cast %broadcast_in_dim3A_87 : vector<16xf32> to vector<1x16xf32>
      tpu.vector_store %arg5[%swap3A_268, %swap3A_269], %swap3A_272 {strides = array<i32>} : memref<256x128xf32, #tpu.memory_space<vmem>>, vector<1x16xf32>,
      %swap3A_273 = arith.index_cast %scan3A_253 : i32 to index
      %swap3A_274 = arith.constant 32 : index
      %swap3A_275 = tpu.vector_load %arg4[%swap3A_273, %swap3A_274] {strides = array<i32>} : memref<256x128xf32, #tpu.memory_space<vmem>>, vector<1x16xf32>,
      %swap3A_276 = vector.shape_cast %swap3A_275 : vector<1x16xf32> to vector<16xf32>
      %swap3A_277 = vector.shape_cast %add3A_31 : vector<16xf32> to vector<1x16xf32>
      tpu.vector_store %arg4[%swap3A_273, %swap3A_274], %swap3A_277 {strides = array<i32>} : memref<256x128xf32, #tpu.memory_space<vmem>>, vector<1x16xf32>,
      %swap3A_278 = arith.index_cast %scan3A_253 : i32 to index
      %swap3A_279 = arith.constant 32 : index
      %swap3A_280 = tpu.vector_load %arg5[%swap3A_278, %swap3A_279] {strides = array<i32>} : memref<256x128xf32, #tpu.memory_space<vmem>>, vector<1x16xf32>,
      %swap3A_281 = vector.shape_cast %swap3A_280 : vector<1x16xf32> to vector<16xf32>
      %swap3A_282 = vector.shape_cast %broadcast_in_dim3A_87 : vector<16xf32> to vector<1x16xf32>
      tpu.vector_store %arg5[%swap3A_278, %swap3A_279], %swap3A_282 {strides = array<i32>} : memref<256x128xf32, #tpu.memory_space<vmem>>, vector<1x16xf32>,
      %swap3A_283 = arith.index_cast %scan3A_253 : i32 to index
      %swap3A_284 = arith.constant 48 : index
      %swap3A_285 = tpu.vector_load %arg4[%swap3A_283, %swap3A_284] {strides = array<i32>} : memref<256x128xf32, #tpu.memory_space<vmem>>, vector<1x16xf32>,
      %swap3A_286 = vector.shape_cast %swap3A_285 : vector<1x16xf32> to vector<16xf32>
      %swap3A_287 = vector.shape_cast %add3A_42 : vector<16xf32> to vector<1x16xf32>
      tpu.vector_store %arg4[%swap3A_283, %swap3A_284], %swap3A_287 {strides = array<i32>} : memref<256x128xf32, #tpu.memory_space<vmem>>, vector<1x16xf32>,
      %swap3A_288 = arith.index_cast %scan3A_253 : i32 to index
      %swap3A_289 = arith.constant 48 : index
      %swap3A_290 = tpu.vector_load %arg5[%swap3A_288, %swap3A_289] {strides = array<i32>} : memref<256x128xf32, #tpu.memory_space<vmem>>, vector<1x16xf32>,
      %swap3A_291 = vector.shape_cast %swap3A_290 : vector<1x16xf32> to vector<16xf32>
      %swap3A_292 = vector.shape_cast %broadcast_in_dim3A_87 : vector<16xf32> to vector<1x16xf32>
      tpu.vector_store %arg5[%swap3A_288, %swap3A_289], %swap3A_292 {strides = array<i32>} : memref<256x128xf32, #tpu.memory_space<vmem>>, vector<1x16xf32>,
      %swap3A_293 = arith.index_cast %scan3A_253 : i32 to index
      %swap3A_294 = arith.constant 64 : index
      %swap3A_295 = tpu.vector_load %arg4[%swap3A_293, %swap3A_294] {strides = array<i32>} : memref<256x128xf32, #tpu.memory_space<vmem>>, vector<1x16xf32>,
      %swap3A_296 = vector.shape_cast %swap3A_295 : vector<1x16xf32> to vector<16xf32>
      %swap3A_297 = vector.shape_cast %add3A_53 : vector<16xf32> to vector<1x16xf32>
      tpu.vector_store %arg4[%swap3A_293, %swap3A_294], %swap3A_297 {strides = array<i32>} : memref<256x128xf32, #tpu.memory_space<vmem>>, vector<1x16xf32>,
      %swap3A_298 = arith.index_cast %scan3A_253 : i32 to index
      %swap3A_299 = arith.constant 64 : index
      %swap3A_300 = tpu.vector_load %arg5[%swap3A_298, %swap3A_299] {strides = array<i32>} : memref<256x128xf32, #tpu.memory_space<vmem>>, vector<1x16xf32>,
      %swap3A_301 = vector.shape_cast %swap3A_300 : vector<1x16xf32> to vector<16xf32>
      %swap3A_302 = vector.shape_cast %broadcast_in_dim3A_87 : vector<16xf32> to vector<1x16xf32>
      tpu.vector_store %arg5[%swap3A_298, %swap3A_299], %swap3A_302 {strides = array<i32>} : memref<256x128xf32, #tpu.memory_space<vmem>>, vector<1x16xf32>,
      %swap3A_303 = arith.index_cast %scan3A_253 : i32 to index
      %swap3A_304 = arith.constant 80 : index
      %swap3A_305 = tpu.vector_load %arg4[%swap3A_303, %swap3A_304] {strides = array<i32>} : memref<256x128xf32, #tpu.memory_space<vmem>>, vector<1x16xf32>,
      %swap3A_306 = vector.shape_cast %swap3A_305 : vector<1x16xf32> to vector<16xf32>
      %swap3A_307 = vector.shape_cast %add3A_64 : vector<16xf32> to vector<1x16xf32>
      tpu.vector_store %arg4[%swap3A_303, %swap3A_304], %swap3A_307 {strides = array<i32>} : memref<256x128xf32, #tpu.memory_space<vmem>>, vector<1x16xf32>,
      %swap3A_308 = arith.index_cast %scan3A_253 : i32 to index
      %swap3A_309 = arith.constant 80 : index
      %swap3A_310 = tpu.vector_load %arg5[%swap3A_308, %swap3A_309] {strides = array<i32>} : memref<256x128xf32, #tpu.memory_space<vmem>>, vector<1x16xf32>,
      %swap3A_311 = vector.shape_cast %swap3A_310 : vector<1x16xf32> to vector<16xf32>
      %swap3A_312 = vector.shape_cast %broadcast_in_dim3A_87 : vector<16xf32> to vector<1x16xf32>
      tpu.vector_store %arg5[%swap3A_308, %swap3A_309], %swap3A_312 {strides = array<i32>} : memref<256x128xf32, #tpu.memory_space<vmem>>, vector<1x16xf32>,
      %swap3A_313 = arith.index_cast %scan3A_253 : i32 to index
      %swap3A_314 = arith.constant 96 : index
      %swap3A_315 = tpu.vector_load %arg4[%swap3A_313, %swap3A_314] {strides = array<i32>} : memref<256x128xf32, #tpu.memory_space<vmem>>, vector<1x16xf32>,
      %swap3A_316 = vector.shape_cast %swap3A_315 : vector<1x16xf32> to vector<16xf32>
      %swap3A_317 = vector.shape_cast %add3A_75 : vector<16xf32> to vector<1x16xf32>
      tpu.vector_store %arg4[%swap3A_313, %swap3A_314], %swap3A_317 {strides = array<i32>} : memref<256x128xf32, #tpu.memory_space<vmem>>, vector<1x16xf32>,
      %swap3A_318 = arith.index_cast %scan3A_253 : i32 to index
      %swap3A_319 = arith.constant 96 : index
      %swap3A_320 = tpu.vector_load %arg5[%swap3A_318, %swap3A_319] {strides = array<i32>} : memref<256x128xf32, #tpu.memory_space<vmem>>, vector<1x16xf32>,
      %swap3A_321 = vector.shape_cast %swap3A_320 : vector<1x16xf32> to vector<16xf32>
      %swap3A_322 = vector.shape_cast %broadcast_in_dim3A_87 : vector<16xf32> to vector<1x16xf32>
      tpu.vector_store %arg5[%swap3A_318, %swap3A_319], %swap3A_322 {strides = array<i32>} : memref<256x128xf32, #tpu.memory_space<vmem>>, vector<1x16xf32>,
      %swap3A_323 = arith.index_cast %scan3A_253 : i32 to index
      %swap3A_324 = arith.constant 112 : index
      %swap3A_325 = tpu.vector_load %arg4[%swap3A_323, %swap3A_324] {strides = array<i32>} : memref<256x128xf32, #tpu.memory_space<vmem>>, vector<1x16xf32>,
      %swap3A_326 = vector.shape_cast %swap3A_325 : vector<1x16xf32> to vector<16xf32>
      %swap3A_327 = vector.shape_cast %add3A_86 : vector<16xf32> to vector<1x16xf32>
      tpu.vector_store %arg4[%swap3A_323, %swap3A_324], %swap3A_327 {strides = array<i32>} : memref<256x128xf32, #tpu.memory_space<vmem>>, vector<1x16xf32>,
      %swap3A_328 = arith.index_cast %scan3A_253 : i32 to index
      %swap3A_329 = arith.constant 112 : index
      %swap3A_330 = tpu.vector_load %arg5[%swap3A_328, %swap3A_329] {strides = array<i32>} : memref<256x128xf32, #tpu.memory_space<vmem>>, vector<1x16xf32>,
      %swap3A_331 = vector.shape_cast %swap3A_330 : vector<1x16xf32> to vector<16xf32>
      %swap3A_332 = vector.shape_cast %broadcast_in_dim3A_87 : vector<16xf32> to vector<1x16xf32>
      tpu.vector_store %arg5[%swap3A_328, %swap3A_329], %swap3A_332 {strides = array<i32>} : memref<256x128xf32, #tpu.memory_space<vmem>>, vector<1x16xf32>,
    }
    %scan3A_92 = arith.constant 256 : i32
    %mul3A_93 = arith.constant 2048 : i32
    %mul3A_94 = arith.muli %add3A, %mul3A_93 : i32
    %add3A_95 = arith.constant 0 : i32
    %add3A_96 = arith.addi %mul3A_94, %add3A_95 : i32
    %dma_start3A = arith.constant 0 : i32
    %dma_start3A_97 = tpu.memref_slice %arg2[%add3A_96, %dma_start3A] : memref<65536x128xf32, #tpu.memory_space<hbm>> -> memref<256x128xf32, #tpu.memory_space<hbm>>
    %dma_start3A_98 = arith.constant 0 : i32
    %dma_start3A_99 = tpu.memref_slice %arg2[%add3A_96, %dma_start3A_98] : memref<65536x128xf32, #tpu.memory_space<hbm>> -> memref<256x128xf32, #tpu.memory_space<hbm>>
    tpu.enqueue_dma source(%arg4 : memref<256x128xf32, #tpu.memory_space<vmem>>) target(%dma_start3A_99 : memref<256x128xf32, #tpu.memory_space<hbm>>) target_semaphore(%arg6 : memref<!tpu.dma_semaphore, #tpu.memory_space<semaphore_mem>>)
    %add3A_100 = arith.constant 0 : i32
    %add3A_101 = arith.addi %mul3A_94, %add3A_100 : i32
    %dma_start3A_102 = arith.constant 0 : i32
    %dma_start3A_103 = tpu.memref_slice %arg3[%add3A_101, %dma_start3A_102] : memref<65536x128xf32, #tpu.memory_space<hbm>> -> memref<256x128xf32, #tpu.memory_space<hbm>>
    %dma_start3A_104 = arith.constant 0 : i32
    %dma_start3A_105 = tpu.memref_slice %arg3[%add3A_101, %dma_start3A_104] : memref<65536x128xf32, #tpu.memory_space<hbm>> -> memref<256x128xf32, #tpu.memory_space<hbm>>
    tpu.enqueue_dma source(%arg5 : memref<256x128xf32, #tpu.memory_space<vmem>>) target(%dma_start3A_105 : memref<256x128xf32, #tpu.memory_space<hbm>>) target_semaphore(%arg6 : memref<!tpu.dma_semaphore, #tpu.memory_space<semaphore_mem>>)
    %add3A_106 = arith.constant 256 : i32
    %add3A_107 = arith.addi %mul3A_94, %add3A_106 : i32
    %dma_start3A_108 = arith.constant 0 : i32
    %dma_start3A_109 = tpu.memref_slice %arg2[%add3A_107, %dma_start3A_108] : memref<65536x128xf32, #tpu.memory_space<hbm>> -> memref<256x128xf32, #tpu.memory_space<hbm>>
    %dma_start3A_110 = arith.constant 0 : i32
    %dma_start3A_111 = tpu.memref_slice %arg2[%add3A_107, %dma_start3A_110] : memref<65536x128xf32, #tpu.memory_space<hbm>> -> memref<256x128xf32, #tpu.memory_space<hbm>>
    tpu.enqueue_dma source(%arg4 : memref<256x128xf32, #tpu.memory_space<vmem>>) target(%dma_start3A_111 : memref<256x128xf32, #tpu.memory_space<hbm>>) target_semaphore(%arg6 : memref<!tpu.dma_semaphore, #tpu.memory_space<semaphore_mem>>)
    %add3A_112 = arith.constant 256 : i32
    %add3A_113 = arith.addi %mul3A_94, %add3A_112 : i32
    %dma_start3A_114 = arith.constant 0 : i32
    %dma_start3A_115 = tpu.memref_slice %arg3[%add3A_113, %dma_start3A_114] : memref<65536x128xf32, #tpu.memory_space<hbm>> -> memref<256x128xf32, #tpu.memory_space<hbm>>
    %dma_start3A_116 = arith.constant 0 : i32
    %dma_start3A_117 = tpu.memref_slice %arg3[%add3A_113, %dma_start3A_116] : memref<65536x128xf32, #tpu.memory_space<hbm>> -> memref<256x128xf32, #tpu.memory_space<hbm>>
    tpu.enqueue_dma source(%arg5 : memref<256x128xf32, #tpu.memory_space<vmem>>) target(%dma_start3A_117 : memref<256x128xf32, #tpu.memory_space<hbm>>) target_semaphore(%arg6 : memref<!tpu.dma_semaphore, #tpu.memory_space<semaphore_mem>>)
    %add3A_118 = arith.constant 512 : i32
    %add3A_119 = arith.addi %mul3A_94, %add3A_118 : i32
    %dma_start3A_120 = arith.constant 0 : i32
    %dma_start3A_121 = tpu.memref_slice %arg2[%add3A_119, %dma_start3A_120] : memref<65536x128xf32, #tpu.memory_space<hbm>> -> memref<256x128xf32, #tpu.memory_space<hbm>>
    %dma_start3A_122 = arith.constant 0 : i32
    %dma_start3A_123 = tpu.memref_slice %arg2[%add3A_119, %dma_start3A_122] : memref<65536x128xf32, #tpu.memory_space<hbm>> -> memref<256x128xf32, #tpu.memory_space<hbm>>
    tpu.enqueue_dma source(%arg4 : memref<256x128xf32, #tpu.memory_space<vmem>>) target(%dma_start3A_123 : memref<256x128xf32, #tpu.memory_space<hbm>>) target_semaphore(%arg6 : memref<!tpu.dma_semaphore, #tpu.memory_space<semaphore_mem>>)
    %add3A_124 = arith.constant 512 : i32
    %add3A_125 = arith.addi %mul3A_94, %add3A_124 : i32
    %dma_start3A_126 = arith.constant 0 : i32
    %dma_start3A_127 = tpu.memref_slice %arg3[%add3A_125, %dma_start3A_126] : memref<65536x128xf32, #tpu.memory_space<hbm>> -> memref<256x128xf32, #tpu.memory_space<hbm>>
    %dma_start3A_128 = arith.constant 0 : i32
    %dma_start3A_129 = tpu.memref_slice %arg3[%add3A_125, %dma_start3A_128] : memref<65536x128xf32, #tpu.memory_space<hbm>> -> memref<256x128xf32, #tpu.memory_space<hbm>>
    tpu.enqueue_dma source(%arg5 : memref<256x128xf32, #tpu.memory_space<vmem>>) target(%dma_start3A_129 : memref<256x128xf32, #tpu.memory_space<hbm>>) target_semaphore(%arg6 : memref<!tpu.dma_semaphore, #tpu.memory_space<semaphore_mem>>)
    %add3A_130 = arith.constant 768 : i32
    %add3A_131 = arith.addi %mul3A_94, %add3A_130 : i32
    %dma_start3A_132 = arith.constant 0 : i32
    %dma_start3A_133 = tpu.memref_slice %arg2[%add3A_131, %dma_start3A_132] : memref<65536x128xf32, #tpu.memory_space<hbm>> -> memref<256x128xf32, #tpu.memory_space<hbm>>
    %dma_start3A_134 = arith.constant 0 : i32
    %dma_start3A_135 = tpu.memref_slice %arg2[%add3A_131, %dma_start3A_134] : memref<65536x128xf32, #tpu.memory_space<hbm>> -> memref<256x128xf32, #tpu.memory_space<hbm>>
    tpu.enqueue_dma source(%arg4 : memref<256x128xf32, #tpu.memory_space<vmem>>) target(%dma_start3A_135 : memref<256x128xf32, #tpu.memory_space<hbm>>) target_semaphore(%arg6 : memref<!tpu.dma_semaphore, #tpu.memory_space<semaphore_mem>>)
    %add3A_136 = arith.constant 768 : i32
    %add3A_137 = arith.addi %mul3A_94, %add3A_136 : i32
    %dma_start3A_138 = arith.constant 0 : i32
    %dma_start3A_139 = tpu.memref_slice %arg3[%add3A_137, %dma_start3A_138] : memref<65536x128xf32, #tpu.memory_space<hbm>> -> memref<256x128xf32, #tpu.memory_space<hbm>>
    %dma_start3A_140 = arith.constant 0 : i32
    %dma_start3A_141 = tpu.memref_slice %arg3[%add3A_137, %dma_start3A_140] : memref<65536x128xf32, #tpu.memory_space<hbm>> -> memref<256x128xf32, #tpu.memory_space<hbm>>
    tpu.enqueue_dma source(%arg5 : memref<256x128xf32, #tpu.memory_space<vmem>>) target(%dma_start3A_141 : memref<256x128xf32, #tpu.memory_space<hbm>>) target_semaphore(%arg6 : memref<!tpu.dma_semaphore, #tpu.memory_space<semaphore_mem>>)
    %add3A_142 = arith.constant 1024 : i32
    %add3A_143 = arith.addi %mul3A_94, %add3A_142 : i32
    %dma_start3A_144 = arith.constant 0 : i32
    %dma_start3A_145 = tpu.memref_slice %arg2[%add3A_143, %dma_start3A_144] : memref<65536x128xf32, #tpu.memory_space<hbm>> -> memref<256x128xf32, #tpu.memory_space<hbm>>
    %dma_start3A_146 = arith.constant 0 : i32
    %dma_start3A_147 = tpu.memref_slice %arg2[%add3A_143, %dma_start3A_146] : memref<65536x128xf32, #tpu.memory_space<hbm>> -> memref<256x128xf32, #tpu.memory_space<hbm>>
    tpu.enqueue_dma source(%arg4 : memref<256x128xf32, #tpu.memory_space<vmem>>) target(%dma_start3A_147 : memref<256x128xf32, #tpu.memory_space<hbm>>) target_semaphore(%arg6 : memref<!tpu.dma_semaphore, #tpu.memory_space<semaphore_mem>>)
    %add3A_148 = arith.constant 1024 : i32
    %add3A_149 = arith.addi %mul3A_94, %add3A_148 : i32
    %dma_start3A_150 = arith.constant 0 : i32
    %dma_start3A_151 = tpu.memref_slice %arg3[%add3A_149, %dma_start3A_150] : memref<65536x128xf32, #tpu.memory_space<hbm>> -> memref<256x128xf32, #tpu.memory_space<hbm>>
    %dma_start3A_152 = arith.constant 0 : i32
    %dma_start3A_153 = tpu.memref_slice %arg3[%add3A_149, %dma_start3A_152] : memref<65536x128xf32, #tpu.memory_space<hbm>> -> memref<256x128xf32, #tpu.memory_space<hbm>>
    tpu.enqueue_dma source(%arg5 : memref<256x128xf32, #tpu.memory_space<vmem>>) target(%dma_start3A_153 : memref<256x128xf32, #tpu.memory_space<hbm>>) target_semaphore(%arg6 : memref<!tpu.dma_semaphore, #tpu.memory_space<semaphore_mem>>)
    %add3A_154 = arith.constant 1280 : i32
    %add3A_155 = arith.addi %mul3A_94, %add3A_154 : i32
    %dma_start3A_156 = arith.constant 0 : i32
    %dma_start3A_157 = tpu.memref_slice %arg2[%add3A_155, %dma_start3A_156] : memref<65536x128xf32, #tpu.memory_space<hbm>> -> memref<256x128xf32, #tpu.memory_space<hbm>>
    %dma_start3A_158 = arith.constant 0 : i32
    %dma_start3A_159 = tpu.memref_slice %arg2[%add3A_155, %dma_start3A_158] : memref<65536x128xf32, #tpu.memory_space<hbm>> -> memref<256x128xf32, #tpu.memory_space<hbm>>
    tpu.enqueue_dma source(%arg4 : memref<256x128xf32, #tpu.memory_space<vmem>>) target(%dma_start3A_159 : memref<256x128xf32, #tpu.memory_space<hbm>>) target_semaphore(%arg6 : memref<!tpu.dma_semaphore, #tpu.memory_space<semaphore_mem>>)
    %add3A_160 = arith.constant 1280 : i32
    %add3A_161 = arith.addi %mul3A_94, %add3A_160 : i32
    %dma_start3A_162 = arith.constant 0 : i32
    %dma_start3A_163 = tpu.memref_slice %arg3[%add3A_161, %dma_start3A_162] : memref<65536x128xf32, #tpu.memory_space<hbm>> -> memref<256x128xf32, #tpu.memory_space<hbm>>
    %dma_start3A_164 = arith.constant 0 : i32
    %dma_start3A_165 = tpu.memref_slice %arg3[%add3A_161, %dma_start3A_164] : memref<65536x128xf32, #tpu.memory_space<hbm>> -> memref<256x128xf32, #tpu.memory_space<hbm>>
    tpu.enqueue_dma source(%arg5 : memref<256x128xf32, #tpu.memory_space<vmem>>) target(%dma_start3A_165 : memref<256x128xf32, #tpu.memory_space<hbm>>) target_semaphore(%arg6 : memref<!tpu.dma_semaphore, #tpu.memory_space<semaphore_mem>>)
    %add3A_166 = arith.constant 1536 : i32
    %add3A_167 = arith.addi %mul3A_94, %add3A_166 : i32
    %dma_start3A_168 = arith.constant 0 : i32
    %dma_start3A_169 = tpu.memref_slice %arg2[%add3A_167, %dma_start3A_168] : memref<65536x128xf32, #tpu.memory_space<hbm>> -> memref<256x128xf32, #tpu.memory_space<hbm>>
    %dma_start3A_170 = arith.constant 0 : i32
    %dma_start3A_171 = tpu.memref_slice %arg2[%add3A_167, %dma_start3A_170] : memref<65536x128xf32, #tpu.memory_space<hbm>> -> memref<256x128xf32, #tpu.memory_space<hbm>>
    tpu.enqueue_dma source(%arg4 : memref<256x128xf32, #tpu.memory_space<vmem>>) target(%dma_start3A_171 : memref<256x128xf32, #tpu.memory_space<hbm>>) target_semaphore(%arg6 : memref<!tpu.dma_semaphore, #tpu.memory_space<semaphore_mem>>)
    %add3A_172 = arith.constant 1536 : i32
    %add3A_173 = arith.addi %mul3A_94, %add3A_172 : i32
    %dma_start3A_174 = arith.constant 0 : i32
    %dma_start3A_175 = tpu.memref_slice %arg3[%add3A_173, %dma_start3A_174] : memref<65536x128xf32, #tpu.memory_space<hbm>> -> memref<256x128xf32, #tpu.memory_space<hbm>>
    %dma_start3A_176 = arith.constant 0 : i32
    %dma_start3A_177 = tpu.memref_slice %arg3[%add3A_173, %dma_start3A_176] : memref<65536x128xf32, #tpu.memory_space<hbm>> -> memref<256x128xf32, #tpu.memory_space<hbm>>
    tpu.enqueue_dma source(%arg5 : memref<256x128xf32, #tpu.memory_space<vmem>>) target(%dma_start3A_177 : memref<256x128xf32, #tpu.memory_space<hbm>>) target_semaphore(%arg6 : memref<!tpu.dma_semaphore, #tpu.memory_space<semaphore_mem>>)
    %add3A_178 = arith.constant 1792 : i32
    %add3A_179 = arith.addi %mul3A_94, %add3A_178 : i32
    %dma_start3A_180 = arith.constant 0 : i32
    %dma_start3A_181 = tpu.memref_slice %arg2[%add3A_179, %dma_start3A_180] : memref<65536x128xf32, #tpu.memory_space<hbm>> -> memref<256x128xf32, #tpu.memory_space<hbm>>
    %dma_start3A_182 = arith.constant 0 : i32
    %dma_start3A_183 = tpu.memref_slice %arg2[%add3A_179, %dma_start3A_182] : memref<65536x128xf32, #tpu.memory_space<hbm>> -> memref<256x128xf32, #tpu.memory_space<hbm>>
    tpu.enqueue_dma source(%arg4 : memref<256x128xf32, #tpu.memory_space<vmem>>) target(%dma_start3A_183 : memref<256x128xf32, #tpu.memory_space<hbm>>) target_semaphore(%arg6 : memref<!tpu.dma_semaphore, #tpu.memory_space<semaphore_mem>>)
    %add3A_184 = arith.constant 1792 : i32
    %add3A_185 = arith.addi %mul3A_94, %add3A_184 : i32
    %dma_start3A_186 = arith.constant 0 : i32
    %dma_start3A_187 = tpu.memref_slice %arg3[%add3A_185, %dma_start3A_186] : memref<65536x128xf32, #tpu.memory_space<hbm>> -> memref<256x128xf32, #tpu.memory_space<hbm>>
    %dma_start3A_188 = arith.constant 0 : i32
    %dma_start3A_189 = tpu.memref_slice %arg3[%add3A_185, %dma_start3A_188] : memref<65536x128xf32, #tpu.memory_space<hbm>> -> memref<256x128xf32, #tpu.memory_space<hbm>>
    tpu.enqueue_dma source(%arg5 : memref<256x128xf32, #tpu.memory_space<vmem>>) target(%dma_start3A_189 : memref<256x128xf32, #tpu.memory_space<hbm>>) target_semaphore(%arg6 : memref<!tpu.dma_semaphore, #tpu.memory_space<semaphore_mem>>)
    %dma_wait3A = arith.constant 0 : i32
    %dma_wait3A_190 = tpu.memref_slice %arg2[%add3A_96, %dma_wait3A] : memref<65536x128xf32, #tpu.memory_space<hbm>> -> memref<256x128xf32, #tpu.memory_space<hbm>>
    %dma_wait3A_191 = arith.constant 0 : i32
    %dma_wait3A_192 = tpu.memref_slice %arg2[%add3A_96, %dma_wait3A_191] : memref<65536x128xf32, #tpu.memory_space<hbm>> -> memref<256x128xf32, #tpu.memory_space<hbm>>
    tpu.wait_dma2 semaphore(%arg6 : memref<!tpu.dma_semaphore, #tpu.memory_space<semaphore_mem>>) src(%arg4 : memref<256x128xf32, #tpu.memory_space<vmem>>) dst(%dma_wait3A_192 : memref<256x128xf32, #tpu.memory_space<hbm>>)
    %dma_wait3A_193 = arith.constant 0 : i32
    %dma_wait3A_194 = tpu.memref_slice %arg3[%add3A_101, %dma_wait3A_193] : memref<65536x128xf32, #tpu.memory_space<hbm>> -> memref<256x128xf32, #tpu.memory_space<hbm>>
    %dma_wait3A_195 = arith.constant 0 : i32
    %dma_wait3A_196 = tpu.memref_slice %arg3[%add3A_101, %dma_wait3A_195] : memref<65536x128xf32, #tpu.memory_space<hbm>> -> memref<256x128xf32, #tpu.memory_space<hbm>>
    tpu.wait_dma2 semaphore(%arg6 : memref<!tpu.dma_semaphore, #tpu.memory_space<semaphore_mem>>) src(%arg5 : memref<256x128xf32, #tpu.memory_space<vmem>>) dst(%dma_wait3A_196 : memref<256x128xf32, #tpu.memory_space<hbm>>)
    %dma_wait3A_197 = arith.constant 0 : i32
    %dma_wait3A_198 = tpu.memref_slice %arg2[%add3A_107, %dma_wait3A_197] : memref<65536x128xf32, #tpu.memory_space<hbm>> -> memref<256x128xf32, #tpu.memory_space<hbm>>
    %dma_wait3A_199 = arith.constant 0 : i32
    %dma_wait3A_200 = tpu.memref_slice %arg2[%add3A_107, %dma_wait3A_199] : memref<65536x128xf32, #tpu.memory_space<hbm>> -> memref<256x128xf32, #tpu.memory_space<hbm>>
    tpu.wait_dma2 semaphore(%arg6 : memref<!tpu.dma_semaphore, #tpu.memory_space<semaphore_mem>>) src(%arg4 : memref<256x128xf32, #tpu.memory_space<vmem>>) dst(%dma_wait3A_200 : memref<256x128xf32, #tpu.memory_space<hbm>>)
    %dma_wait3A_201 = arith.constant 0 : i32
    %dma_wait3A_202 = tpu.memref_slice %arg3[%add3A_113, %dma_wait3A_201] : memref<65536x128xf32, #tpu.memory_space<hbm>> -> memref<256x128xf32, #tpu.memory_space<hbm>>
    %dma_wait3A_203 = arith.constant 0 : i32
    %dma_wait3A_204 = tpu.memref_slice %arg3[%add3A_113, %dma_wait3A_203] : memref<65536x128xf32, #tpu.memory_space<hbm>> -> memref<256x128xf32, #tpu.memory_space<hbm>>
    tpu.wait_dma2 semaphore(%arg6 : memref<!tpu.dma_semaphore, #tpu.memory_space<semaphore_mem>>) src(%arg5 : memref<256x128xf32, #tpu.memory_space<vmem>>) dst(%dma_wait3A_204 : memref<256x128xf32, #tpu.memory_space<hbm>>)
    %dma_wait3A_205 = arith.constant 0 : i32
    %dma_wait3A_206 = tpu.memref_slice %arg2[%add3A_119, %dma_wait3A_205] : memref<65536x128xf32, #tpu.memory_space<hbm>> -> memref<256x128xf32, #tpu.memory_space<hbm>>
    %dma_wait3A_207 = arith.constant 0 : i32
    %dma_wait3A_208 = tpu.memref_slice %arg2[%add3A_119, %dma_wait3A_207] : memref<65536x128xf32, #tpu.memory_space<hbm>> -> memref<256x128xf32, #tpu.memory_space<hbm>>
    tpu.wait_dma2 semaphore(%arg6 : memref<!tpu.dma_semaphore, #tpu.memory_space<semaphore_mem>>) src(%arg4 : memref<256x128xf32, #tpu.memory_space<vmem>>) dst(%dma_wait3A_208 : memref<256x128xf32, #tpu.memory_space<hbm>>)
    %dma_wait3A_209 = arith.constant 0 : i32
    %dma_wait3A_210 = tpu.memref_slice %arg3[%add3A_125, %dma_wait3A_209] : memref<65536x128xf32, #tpu.memory_space<hbm>> -> memref<256x128xf32, #tpu.memory_space<hbm>>
    %dma_wait3A_211 = arith.constant 0 : i32
    %dma_wait3A_212 = tpu.memref_slice %arg3[%add3A_125, %dma_wait3A_211] : memref<65536x128xf32, #tpu.memory_space<hbm>> -> memref<256x128xf32, #tpu.memory_space<hbm>>
    tpu.wait_dma2 semaphore(%arg6 : memref<!tpu.dma_semaphore, #tpu.memory_space<semaphore_mem>>) src(%arg5 : memref<256x128xf32, #tpu.memory_space<vmem>>) dst(%dma_wait3A_212 : memref<256x128xf32, #tpu.memory_space<hbm>>)
    %dma_wait3A_213 = arith.constant 0 : i32
    %dma_wait3A_214 = tpu.memref_slice %arg2[%add3A_131, %dma_wait3A_213] : memref<65536x128xf32, #tpu.memory_space<hbm>> -> memref<256x128xf32, #tpu.memory_space<hbm>>
    %dma_wait3A_215 = arith.constant 0 : i32
    %dma_wait3A_216 = tpu.memref_slice %arg2[%add3A_131, %dma_wait3A_215] : memref<65536x128xf32, #tpu.memory_space<hbm>> -> memref<256x128xf32, #tpu.memory_space<hbm>>
    tpu.wait_dma2 semaphore(%arg6 : memref<!tpu.dma_semaphore, #tpu.memory_space<semaphore_mem>>) src(%arg4 : memref<256x128xf32, #tpu.memory_space<vmem>>) dst(%dma_wait3A_216 : memref<256x128xf32, #tpu.memory_space<hbm>>)
    %dma_wait3A_217 = arith.constant 0 : i32
    %dma_wait3A_218 = tpu.memref_slice %arg3[%add3A_137, %dma_wait3A_217] : memref<65536x128xf32, #tpu.memory_space<hbm>> -> memref<256x128xf32, #tpu.memory_space<hbm>>
    %dma_wait3A_219 = arith.constant 0 : i32
    %dma_wait3A_220 = tpu.memref_slice %arg3[%add3A_137, %dma_wait3A_219] : memref<65536x128xf32, #tpu.memory_space<hbm>> -> memref<256x128xf32, #tpu.memory_space<hbm>>
    tpu.wait_dma2 semaphore(%arg6 : memref<!tpu.dma_semaphore, #tpu.memory_space<semaphore_mem>>) src(%arg5 : memref<256x128xf32, #tpu.memory_space<vmem>>) dst(%dma_wait3A_220 : memref<256x128xf32, #tpu.memory_space<hbm>>)
    %dma_wait3A_221 = arith.constant 0 : i32
    %dma_wait3A_222 = tpu.memref_slice %arg2[%add3A_143, %dma_wait3A_221] : memref<65536x128xf32, #tpu.memory_space<hbm>> -> memref<256x128xf32, #tpu.memory_space<hbm>>
    %dma_wait3A_223 = arith.constant 0 : i32
    %dma_wait3A_224 = tpu.memref_slice %arg2[%add3A_143, %dma_wait3A_223] : memref<65536x128xf32, #tpu.memory_space<hbm>> -> memref<256x128xf32, #tpu.memory_space<hbm>>
    tpu.wait_dma2 semaphore(%arg6 : memref<!tpu.dma_semaphore, #tpu.memory_space<semaphore_mem>>) src(%arg4 : memref<256x128xf32, #tpu.memory_space<vmem>>) dst(%dma_wait3A_224 : memref<256x128xf32, #tpu.memory_space<hbm>>)
    %dma_wait3A_225 = arith.constant 0 : i32
    %dma_wait3A_226 = tpu.memref_slice %arg3[%add3A_149, %dma_wait3A_225] : memref<65536x128xf32, #tpu.memory_space<hbm>> -> memref<256x128xf32, #tpu.memory_space<hbm>>
    %dma_wait3A_227 = arith.constant 0 : i32
    %dma_wait3A_228 = tpu.memref_slice %arg3[%add3A_149, %dma_wait3A_227] : memref<65536x128xf32, #tpu.memory_space<hbm>> -> memref<256x128xf32, #tpu.memory_space<hbm>>
    tpu.wait_dma2 semaphore(%arg6 : memref<!tpu.dma_semaphore, #tpu.memory_space<semaphore_mem>>) src(%arg5 : memref<256x128xf32, #tpu.memory_space<vmem>>) dst(%dma_wait3A_228 : memref<256x128xf32, #tpu.memory_space<hbm>>)
    %dma_wait3A_229 = arith.constant 0 : i32
    %dma_wait3A_230 = tpu.memref_slice %arg2[%add3A_155, %dma_wait3A_229] : memref<65536x128xf32, #tpu.memory_space<hbm>> -> memref<256x128xf32, #tpu.memory_space<hbm>>
    %dma_wait3A_231 = arith.constant 0 : i32
    %dma_wait3A_232 = tpu.memref_slice %arg2[%add3A_155, %dma_wait3A_231] : memref<65536x128xf32, #tpu.memory_space<hbm>> -> memref<256x128xf32, #tpu.memory_space<hbm>>
    tpu.wait_dma2 semaphore(%arg6 : memref<!tpu.dma_semaphore, #tpu.memory_space<semaphore_mem>>) src(%arg4 : memref<256x128xf32, #tpu.memory_space<vmem>>) dst(%dma_wait3A_232 : memref<256x128xf32, #tpu.memory_space<hbm>>)
    %dma_wait3A_233 = arith.constant 0 : i32
    %dma_wait3A_234 = tpu.memref_slice %arg3[%add3A_161, %dma_wait3A_233] : memref<65536x128xf32, #tpu.memory_space<hbm>> -> memref<256x128xf32, #tpu.memory_space<hbm>>
    %dma_wait3A_235 = arith.constant 0 : i32
    %dma_wait3A_236 = tpu.memref_slice %arg3[%add3A_161, %dma_wait3A_235] : memref<65536x128xf32, #tpu.memory_space<hbm>> -> memref<256x128xf32, #tpu.memory_space<hbm>>
    tpu.wait_dma2 semaphore(%arg6 : memref<!tpu.dma_semaphore, #tpu.memory_space<semaphore_mem>>) src(%arg5 : memref<256x128xf32, #tpu.memory_space<vmem>>) dst(%dma_wait3A_236 : memref<256x128xf32, #tpu.memory_space<hbm>>)
    %dma_wait3A_237 = arith.constant 0 : i32
    %dma_wait3A_238 = tpu.memref_slice %arg2[%add3A_167, %dma_wait3A_237] : memref<65536x128xf32, #tpu.memory_space<hbm>> -> memref<256x128xf32, #tpu.memory_space<hbm>>
    %dma_wait3A_239 = arith.constant 0 : i32
    %dma_wait3A_240 = tpu.memref_slice %arg2[%add3A_167, %dma_wait3A_239] : memref<65536x128xf32, #tpu.memory_space<hbm>> -> memref<256x128xf32, #tpu.memory_space<hbm>>
    tpu.wait_dma2 semaphore(%arg6 : memref<!tpu.dma_semaphore, #tpu.memory_space<semaphore_mem>>) src(%arg4 : memref<256x128xf32, #tpu.memory_space<vmem>>) dst(%dma_wait3A_240 : memref<256x128xf32, #tpu.memory_space<hbm>>)
    %dma_wait3A_241 = arith.constant 0 : i32
    %dma_wait3A_242 = tpu.memref_slice %arg3[%add3A_173, %dma_wait3A_241] : memref<65536x128xf32, #tpu.memory_space<hbm>> -> memref<256x128xf32, #tpu.memory_space<hbm>>
    %dma_wait3A_243 = arith.constant 0 : i32
    %dma_wait3A_244 = tpu.memref_slice %arg3[%add3A_173, %dma_wait3A_243] : memref<65536x128xf32, #tpu.memory_space<hbm>> -> memref<256x128xf32, #tpu.memory_space<hbm>>
    tpu.wait_dma2 semaphore(%arg6 : memref<!tpu.dma_semaphore, #tpu.memory_space<semaphore_mem>>) src(%arg5 : memref<256x128xf32, #tpu.memory_space<vmem>>) dst(%dma_wait3A_244 : memref<256x128xf32, #tpu.memory_space<hbm>>)
    %dma_wait3A_245 = arith.constant 0 : i32
    %dma_wait3A_246 = tpu.memref_slice %arg2[%add3A_179, %dma_wait3A_245] : memref<65536x128xf32, #tpu.memory_space<hbm>> -> memref<256x128xf32, #tpu.memory_space<hbm>>
    %dma_wait3A_247 = arith.constant 0 : i32
    %dma_wait3A_248 = tpu.memref_slice %arg2[%add3A_179, %dma_wait3A_247] : memref<65536x128xf32, #tpu.memory_space<hbm>> -> memref<256x128xf32, #tpu.memory_space<hbm>>
    tpu.wait_dma2 semaphore(%arg6 : memref<!tpu.dma_semaphore, #tpu.memory_space<semaphore_mem>>) src(%arg4 : memref<256x128xf32, #tpu.memory_space<vmem>>) dst(%dma_wait3A_248 : memref<256x128xf32, #tpu.memory_space<hbm>>)
    %dma_wait3A_249 = arith.constant 0 : i32
    %dma_wait3A_250 = tpu.memref_slice %arg3[%add3A_185, %dma_wait3A_249] : memref<65536x128xf32, #tpu.memory_space<hbm>> -> memref<256x128xf32, #tpu.memory_space<hbm>>
    %dma_wait3A_251 = arith.constant 0 : i32
    %dma_wait3A_252 = tpu.memref_slice %arg3[%add3A_185, %dma_wait3A_251] : memref<65536x128xf32, #tpu.memory_space<hbm>> -> memref<256x128xf32, #tpu.memory_space<hbm>>
    tpu.wait_dma2 semaphore(%arg6 : memref<!tpu.dma_semaphore, #tpu.memory_space<semaphore_mem>>) src(%arg5 : memref<256x128xf32, #tpu.memory_space<vmem>>) dst(%dma_wait3A_252 : memref<256x128xf32, #tpu.memory_space<hbm>>)
    return
  }
}

module attributes {stable_mosaic.version = 14 : i64} {
  func.func @_tc_body(%arg0: i32, %arg1: memref<3x4096xf32, #tpu.memory_space<vmem>>, %arg2: memref<3x4096xf32, #tpu.memory_space<vmem>>, %arg3: memref<3x4096x128xf32, #tpu.memory_space<vmem>>, %arg4: memref<3x4096x128xf32, #tpu.memory_space<vmem>>) attributes {dimension_semantics = [#tpu.dimension_semantics<arbitrary>], iteration_bounds = array<i64: 16>, scalar_prefetch = 0 : i64, scratch_operands = 0 : i64, tpu.core_type = #tpu.core_type<tc>, window_params = [{transform_indices = @transform_0, window_bounds = array<i64: 3, 4096>}, {transform_indices = @transform_1, window_bounds = array<i64: 3, 4096>}, {transform_indices = @transform_2, window_bounds = array<i64: 3, 4096, 128>}, {transform_indices = @transform_3, window_bounds = array<i64: 3, 4096, 128>}]} {
    %get3A = arith.constant 0 : index
    %get3A_0 = arith.constant 0 : index
    %get3A_1 = vector.load %arg1[%get3A, %get3A_0] : memref<3x4096xf32, #tpu.memory_space<vmem>>, vector<3x4096xf32>
    %transpose3A = tpu.transpose %get3A_1, [1, 0] : vector<3x4096xf32> -> vector<4096x3xf32>
    %get3A_2 = arith.constant 0 : index
    %get3A_3 = arith.constant 0 : index
    %get3A_4 = vector.load %arg2[%get3A_2, %get3A_3] : memref<3x4096xf32, #tpu.memory_space<vmem>>, vector<3x4096xf32>
    %transpose3A_5 = tpu.transpose %get3A_4, [1, 0] : vector<3x4096xf32> -> vector<4096x3xf32>
    %mul3A = arith.mulf %transpose3A_5, %transpose3A_5 : vector<4096x3xf32>
    %reduce_sum3A = arith.constant dense<0.000000e+00> : vector<4096xf32>
    %reduce_sum3A_6 = vector.multi_reduction <add>, %mul3A, %reduce_sum3A [1] : vector<4096x3xf32> to vector<4096xf32>
    %broadcast_in_dim3A = vector.shape_cast %reduce_sum3A_6 : vector<4096xf32> to vector<4096x1xf32>
    %sqrt3A = math.sqrt %broadcast_in_dim3A : vector<4096x1xf32>
    %add3A = arith.constant 9.99999993E-9 : f32
    %add3A_7 = vector.broadcast %add3A : f32 to vector<4096x1xf32>
    %add3A_8 = arith.addf %sqrt3A, %add3A_7 : vector<4096x1xf32>
    %div3A = vector.broadcast %add3A_8 : vector<4096x1xf32> to vector<4096x3xf32>
    %div3A_9 = arith.divf %transpose3A_5, %div3A : vector<4096x3xf32>
    %iota3A = tpu.iota {dimensions = array<i32: 1>} : vector<1x128xi32>
    %convert_element_type3A = arith.sitofp %iota3A : vector<1x128xi32> to vector<1x128xf32>
    %mul3A_10 = arith.constant 0.78661418 : f32
    %mul3A_11 = vector.broadcast %mul3A_10 : f32 to vector<1x128xf32>
    %mul3A_12 = arith.mulf %convert_element_type3A, %mul3A_11 : vector<1x128xf32>
    %add3A_13 = arith.constant 1.000000e-01 : f32
    %add3A_14 = vector.broadcast %add3A_13 : f32 to vector<1x128xf32>
    %add3A_15 = arith.addf %add3A_14, %mul3A_12 : vector<1x128xf32>
    %slice3A = vector.extract_strided_slice %transpose3A {offsets = [0, 0], sizes = [4096, 1], strides = [1, 1]} : vector<4096x3xf32> to vector<4096x1xf32>
    %slice3A_16 = vector.extract_strided_slice %div3A_9 {offsets = [0, 0], sizes = [4096, 1], strides = [1, 1]} : vector<4096x3xf32> to vector<4096x1xf32>
    %mul3A_17 = vector.broadcast %slice3A_16 : vector<4096x1xf32> to vector<4096x128xf32>
    %mul3A_18 = vector.broadcast %add3A_15 : vector<1x128xf32> to vector<4096x128xf32>
    %mul3A_19 = arith.mulf %mul3A_17, %mul3A_18 : vector<4096x128xf32>
    %add3A_20 = vector.broadcast %slice3A : vector<4096x1xf32> to vector<4096x128xf32>
    %add3A_21 = arith.addf %add3A_20, %mul3A_19 : vector<4096x128xf32>
    %swap3A = arith.constant 0 : index
    %swap3A_22 = arith.constant 0 : index
    %swap3A_23 = arith.constant 0 : index
    %swap3A_24 = vector.load %arg3[%swap3A, %swap3A_22, %swap3A_23] : memref<3x4096x128xf32, #tpu.memory_space<vmem>>, vector<1x4096x128xf32>
    %swap3A_25 = vector.shape_cast %swap3A_24 : vector<1x4096x128xf32> to vector<4096x128xf32>
    %swap3A_26 = vector.shape_cast %add3A_21 : vector<4096x128xf32> to vector<1x4096x128xf32>
    tpu.vector_store %arg3[%swap3A, %swap3A_22, %swap3A_23], %swap3A_26 {strides = array<i32>} : memref<3x4096x128xf32, #tpu.memory_space<vmem>>, vector<1x4096x128xf32>,
    %broadcast_in_dim3A_27 = vector.shape_cast %slice3A_16 : vector<4096x1xf32> to vector<4096x1xf32>
    %broadcast_in_dim3A_28 = vector.broadcast %broadcast_in_dim3A_27 : vector<4096x1xf32> to vector<4096x128xf32>
    %swap3A_29 = arith.constant 0 : index
    %swap3A_30 = arith.constant 0 : index
    %swap3A_31 = arith.constant 0 : index
    %swap3A_32 = vector.load %arg4[%swap3A_29, %swap3A_30, %swap3A_31] : memref<3x4096x128xf32, #tpu.memory_space<vmem>>, vector<1x4096x128xf32>
    %swap3A_33 = vector.shape_cast %swap3A_32 : vector<1x4096x128xf32> to vector<4096x128xf32>
    %swap3A_34 = vector.shape_cast %broadcast_in_dim3A_28 : vector<4096x128xf32> to vector<1x4096x128xf32>
    tpu.vector_store %arg4[%swap3A_29, %swap3A_30, %swap3A_31], %swap3A_34 {strides = array<i32>} : memref<3x4096x128xf32, #tpu.memory_space<vmem>>, vector<1x4096x128xf32>,
    %slice3A_35 = vector.extract_strided_slice %transpose3A {offsets = [0, 1], sizes = [4096, 1], strides = [1, 1]} : vector<4096x3xf32> to vector<4096x1xf32>
    %slice3A_36 = vector.extract_strided_slice %div3A_9 {offsets = [0, 1], sizes = [4096, 1], strides = [1, 1]} : vector<4096x3xf32> to vector<4096x1xf32>
    %mul3A_37 = vector.broadcast %slice3A_36 : vector<4096x1xf32> to vector<4096x128xf32>
    %mul3A_38 = vector.broadcast %add3A_15 : vector<1x128xf32> to vector<4096x128xf32>
    %mul3A_39 = arith.mulf %mul3A_37, %mul3A_38 : vector<4096x128xf32>
    %add3A_40 = vector.broadcast %slice3A_35 : vector<4096x1xf32> to vector<4096x128xf32>
    %add3A_41 = arith.addf %add3A_40, %mul3A_39 : vector<4096x128xf32>
    %swap3A_42 = arith.constant 1 : index
    %swap3A_43 = arith.constant 0 : index
    %swap3A_44 = arith.constant 0 : index
    %swap3A_45 = vector.load %arg3[%swap3A_42, %swap3A_43, %swap3A_44] : memref<3x4096x128xf32, #tpu.memory_space<vmem>>, vector<1x4096x128xf32>
    %swap3A_46 = vector.shape_cast %swap3A_45 : vector<1x4096x128xf32> to vector<4096x128xf32>
    %swap3A_47 = vector.shape_cast %add3A_41 : vector<4096x128xf32> to vector<1x4096x128xf32>
    tpu.vector_store %arg3[%swap3A_42, %swap3A_43, %swap3A_44], %swap3A_47 {strides = array<i32>} : memref<3x4096x128xf32, #tpu.memory_space<vmem>>, vector<1x4096x128xf32>,
    %broadcast_in_dim3A_48 = vector.shape_cast %slice3A_36 : vector<4096x1xf32> to vector<4096x1xf32>
    %broadcast_in_dim3A_49 = vector.broadcast %broadcast_in_dim3A_48 : vector<4096x1xf32> to vector<4096x128xf32>
    %swap3A_50 = arith.constant 1 : index
    %swap3A_51 = arith.constant 0 : index
    %swap3A_52 = arith.constant 0 : index
    %swap3A_53 = vector.load %arg4[%swap3A_50, %swap3A_51, %swap3A_52] : memref<3x4096x128xf32, #tpu.memory_space<vmem>>, vector<1x4096x128xf32>
    %swap3A_54 = vector.shape_cast %swap3A_53 : vector<1x4096x128xf32> to vector<4096x128xf32>
    %swap3A_55 = vector.shape_cast %broadcast_in_dim3A_49 : vector<4096x128xf32> to vector<1x4096x128xf32>
    tpu.vector_store %arg4[%swap3A_50, %swap3A_51, %swap3A_52], %swap3A_55 {strides = array<i32>} : memref<3x4096x128xf32, #tpu.memory_space<vmem>>, vector<1x4096x128xf32>,
    %slice3A_56 = vector.extract_strided_slice %transpose3A {offsets = [0, 2], sizes = [4096, 1], strides = [1, 1]} : vector<4096x3xf32> to vector<4096x1xf32>
    %slice3A_57 = vector.extract_strided_slice %div3A_9 {offsets = [0, 2], sizes = [4096, 1], strides = [1, 1]} : vector<4096x3xf32> to vector<4096x1xf32>
    %mul3A_58 = vector.broadcast %slice3A_57 : vector<4096x1xf32> to vector<4096x128xf32>
    %mul3A_59 = vector.broadcast %add3A_15 : vector<1x128xf32> to vector<4096x128xf32>
    %mul3A_60 = arith.mulf %mul3A_58, %mul3A_59 : vector<4096x128xf32>
    %add3A_61 = vector.broadcast %slice3A_56 : vector<4096x1xf32> to vector<4096x128xf32>
    %add3A_62 = arith.addf %add3A_61, %mul3A_60 : vector<4096x128xf32>
    %swap3A_63 = arith.constant 2 : index
    %swap3A_64 = arith.constant 0 : index
    %swap3A_65 = arith.constant 0 : index
    %swap3A_66 = vector.load %arg3[%swap3A_63, %swap3A_64, %swap3A_65] : memref<3x4096x128xf32, #tpu.memory_space<vmem>>, vector<1x4096x128xf32>
    %swap3A_67 = vector.shape_cast %swap3A_66 : vector<1x4096x128xf32> to vector<4096x128xf32>
    %swap3A_68 = vector.shape_cast %add3A_62 : vector<4096x128xf32> to vector<1x4096x128xf32>
    tpu.vector_store %arg3[%swap3A_63, %swap3A_64, %swap3A_65], %swap3A_68 {strides = array<i32>} : memref<3x4096x128xf32, #tpu.memory_space<vmem>>, vector<1x4096x128xf32>,
    %broadcast_in_dim3A_69 = vector.shape_cast %slice3A_57 : vector<4096x1xf32> to vector<4096x1xf32>
    %broadcast_in_dim3A_70 = vector.broadcast %broadcast_in_dim3A_69 : vector<4096x1xf32> to vector<4096x128xf32>
    %swap3A_71 = arith.constant 2 : index
    %swap3A_72 = arith.constant 0 : index
    %swap3A_73 = arith.constant 0 : index
    %swap3A_74 = vector.load %arg4[%swap3A_71, %swap3A_72, %swap3A_73] : memref<3x4096x128xf32, #tpu.memory_space<vmem>>, vector<1x4096x128xf32>
    %swap3A_75 = vector.shape_cast %swap3A_74 : vector<1x4096x128xf32> to vector<4096x128xf32>
    %swap3A_76 = vector.shape_cast %broadcast_in_dim3A_70 : vector<4096x128xf32> to vector<1x4096x128xf32>
    tpu.vector_store %arg4[%swap3A_71, %swap3A_72, %swap3A_73], %swap3A_76 {strides = array<i32>} : memref<3x4096x128xf32, #tpu.memory_space<vmem>>, vector<1x4096x128xf32>,
    return
  }
  func.func @transform_0(%arg0: i32) -> (i32, i32) {
    %c0_i32 = arith.constant 0 : i32
    %c0_i32_0 = arith.constant 0 : i32
    return %c0_i32, %arg0 : i32, i32
  }
  func.func @transform_1(%arg0: i32) -> (i32, i32) {
    %c0_i32 = arith.constant 0 : i32
    %c0_i32_0 = arith.constant 0 : i32
    return %c0_i32, %arg0 : i32, i32
  }
  func.func @transform_2(%arg0: i32) -> (i32, i32, i32) {
    %c0_i32 = arith.constant 0 : i32
    %c0_i32_0 = arith.constant 0 : i32
    %c0_i32_1 = arith.constant 0 : i32
    return %c0_i32, %arg0, %c0_i32_0 : i32, i32, i32
  }
  func.func @transform_3(%arg0: i32) -> (i32, i32, i32) {
    %c0_i32 = arith.constant 0 : i32
    %c0_i32_0 = arith.constant 0 : i32
    %c0_i32_1 = arith.constant 0 : i32
    return %c0_i32, %arg0, %c0_i32_0 : i32, i32, i32
  }
}

</mosaic_0001>

<sc_bundles>
// kernel: kernel.4.cloned.1.call-start
scs
__scs_entry_jumppad:
0x0: {  	(pc) =	sbr.rel $0x88, $3  }
0x1: {  	(tag) =	ssettag $0x0;
	lr =	simm.s32 $0x1  }
0x2: {  	[smem:$0x3F9F] =	sst lr;
	_ =	strace $0xD0000000  }
0x3: {  	_ = 	snop  }
0x4: {  	_ = 	snop  }
0x5: {  	_ = 	snop  }
0x6: {  	_ = 	snop  }
0x7: {  	_ = 	snop  }
__scs_overlays_trampoline_lowered:
0x8: {  	[smem:$0x3FAE] =	sst s0  }
0x9: {  	[smem:$0x3FAF] =	sst s1  }
0xa: {  	[smem:$0x3FB0] =	sst s2  }
0xb: {  	[smem:$0x3FB1] =	sst s3  }
0xc: {  	[smem:$0x3FB2] =	sst s4  }
0xd: {  	[smem:$0x3FB3] =	sst s5  }
0xe: {  	[smem:$0x3FB4] =	sst s6  }
0xf: {  	[smem:$0x3FB5] =	sst s7  }
0x10: {  	[smem:$0x3FB6] =	sst s8  }
0x11: {  	[smem:$0x3FB7] =	sst s9;
	s0 =	simm.s32 @!p0 $0x0  }
0x12: {  	s1 =	sld [smem:$0x3F9D];
	s0 =	simm.s32 @p0 $0x1  }
0x13: {  	[smem:$0x3FB8] =	sst s0;
	s0 =	simm.s32 @!p1 $0x0  }
0x14: {  	s2 =	sld [smem:$0x3F9C];
	s0 =	simm.s32 @p1 $0x1  }
0x15: {  	[smem:$0x3FB9] =	sst s0;
	s0 =	simm.s32 @!p2 $0x0  }
0x16: {  	s3 =	sld [smem:$0x3FDB];
	s0 =	simm.s32 @p2 $0x1  }
0x17: {  	s4 =	simm.s32 $0x1BF5;
	[smem:$0x3FBB] =	sst s0  }
0x18: {  	s0 =	sld [smem:$0x3F9E];
	_ =	swait.ge [sflag:s4], $0x0  }
0x19: {  	s7 =	sld [smem:$0x3F9F]  }
0x1a: {  	s8 =	sadd.s32 $0xFFFFE003, lr  }
0x1b: {  	s9 =	sadd.s32 $0xFFFFFEF7, lr;
	s5 =	simm.s32 $0xFFFFFFFF;
	p2 =	slt.u32 s8, $0xFFFFF086  }
0x1c: {  	p1 =	slt.u32 s9, $0xF7A;
	s5 =	simm.s32 @!p2 $0x0  }
0x1d: {  	s5 =	simm.s32 @p1 $0x1;
	p0 =	seq.s32 s7, s2  }
0x1e: {  	s7 =	smul.u32 @!p0 $0xF7A, s2;
	p2 =	seq.s32 @!p0 s5, $0x0  }
0x1f: {  	s9 =	smul.u32 $0xF7A, s1;
	s8 =	simm.s32 @!p0 $0x1BF5;
	p2 =	por !p2, p0  }
0x20: {  	[sflag:s8] =	ssyncset.s32 @!p0 $0xFFFFF086;
	s6 =	sadd.s32 @!p0 s3, s7;
	s7 =	simm.s32 @!p0 $0x108  }
0x21: {  	s3 =	sadd.s32 s3, s9;
	s6 =	sadd.s32 @!p0 $0x88, s6;
	s7 =	simm.s32 @p2 $0x1082  }
0x22: {  	[simem:s7], [sflag:s8] =	dma.local @!p0 [hbm:s6], $0xF7A  }
0x23: {  	s9 =	sor.u32 $0xD0000000, s2;
	s6 =	simm.s32 $0x108;
	_ =	swait.ge @!p0 [sflag:s8], $0x0  }
0x24: {  	s3 =	sadd.s32 $0x88, s3;
	s6 =	simm.s32 @!p1 $0x1082;
	[sflag:s4] =	ssyncset.s32 $0xFFFFF086  }
0x25: {  	[simem:s6], [sflag:s4] =	dma.local [hbm:s3], $0xF7A  }
0x26: {  	[smem:$0x3F9F] =	sst s1;
	(tag) =	ssettag s2;
	_ =	strace s9  }
0x27: {  	s1 =	sld [smem:$0x3FAF]  }
0x28: {  	s2 =	sld [smem:$0x3FB0]  }
0x29: {  	s4 =	sld [smem:$0x3FB2]  }
0x2a: {  	p0 =	seq.s32 s5, $0x0;
	s5 =	sld [smem:$0x3FB3]  }
0x2b: {  	s6 =	sld [smem:$0x3FB4]  }
0x2c: {  	s7 =	sld [smem:$0x3FB5]  }
0x2d: {  	s3 =	simm.s32 $0x108;
	s8 =	sld [smem:$0x3FB6]  }
0x2e: {  	s3 =	simm.s32 @!p0 $0x1082;
	s9 =	sld [smem:$0x3FB7]  }
0x2f: {  	lr =	sadd.s32 s0, s3;
	s0 =	sld [smem:$0x3FAE]  }
0x30: {  	s3 =	sld [smem:$0x3FB1]  }
0x31: {  	[smem:$0x3FBA] =	sst s10  }
0x32: {  	s10 =	sld [smem:$0x3FB8];
	_ =	sdelay $0x3  }
0x33: {  	p0 =	seq.s32 s10, $0x1;
	s10 =	sld [smem:$0x3FBA];
	_ =	sdelay $0x3  }
0x34: {  	[smem:$0x3FBA] =	sst s10  }
0x35: {  	s10 =	sld [smem:$0x3FB9];
	_ =	sdelay $0x3  }
0x36: {  	p1 =	seq.s32 s10, $0x1;
	s10 =	sld [smem:$0x3FBA];
	_ =	sdelay $0x3  }
0x37: {  	[smem:$0x3FBA] =	sst s10  }
0x38: {  	s10 =	sld [smem:$0x3FBB]  }
0x39: {  	_ = 	snop;
	(pc) =	sbr.ind lr, $3  }
0x3a: {  	_ = 	snop  }
0x3b: {  	_ = 	snop  }
0x3c: {  	p2 =	seq.s32 s10, $0x1;
	s10 =	sld [smem:$0x3FBA]  }
0x3d: {  	_ =	shalt  }
0x3e: {  	_ =	shalt  }
0x3f: {  	_ =	shalt  }
0x40: {  	_ =	shalt  }
0x41: {  	_ =	shalt  }
0x42: {  	_ =	shalt  }
0x43: {  	_ =	shalt  }
0x44: {  	_ =	shalt  }
0x45: {  	_ =	shalt  }
0x46: {  	_ =	shalt  }
0x47: {  	_ =	shalt  }
0x48: {  	_ =	shalt  }
0x49: {  	_ =	shalt  }
0x4a: {  	_ =	shalt  }
0x4b: {  	_ =	shalt  }
0x4c: {  	_ =	shalt  }
0x4d: {  	_ =	shalt  }
0x4e: {  	_ =	shalt  }
0x4f: {  	_ =	shalt  }
0x50: {  	_ =	shalt  }
0x51: {  	_ =	shalt  }
0x52: {  	_ =	shalt  }
0x53: {  	_ =	shalt  }
0x54: {  	_ =	shalt  }
0x55: {  	_ =	shalt  }
0x56: {  	_ =	shalt  }
0x57: {  	_ =	shalt  }
0x58: {  	_ =	shalt  }
0x59: {  	_ =	shalt  }
0x5a: {  	_ =	shalt  }
0x5b: {  	_ =	shalt  }
0x5c: {  	_ =	shalt  }
0x5d: {  	_ =	shalt  }
0x5e: {  	_ =	shalt  }
0x5f: {  	_ =	shalt  }
0x60: {  	_ =	shalt  }
0x61: {  	_ =	shalt  }
0x62: {  	_ =	shalt  }
0x63: {  	_ =	shalt  }
0x64: {  	_ =	shalt  }
0x65: {  	_ =	shalt  }
0x66: {  	_ =	shalt  }
0x67: {  	_ =	shalt  }
0x68: {  	_ =	shalt  }
0x69: {  	_ =	shalt  }
0x6a: {  	_ =	shalt  }
0x6b: {  	_ =	shalt  }
0x6c: {  	_ =	shalt  }
0x6d: {  	_ =	shalt  }
0x6e: {  	_ =	shalt  }
0x6f: {  	_ =	shalt  }
0x70: {  	_ =	shalt  }
0x71: {  	_ =	shalt  }
0x72: {  	_ =	shalt  }
0x73: {  	_ =	shalt  }
0x74: {  	_ =	shalt  }
0x75: {  	_ =	shalt  }
0x76: {  	_ =	shalt  }
0x77: {  	_ =	shalt  }
0x78: {  	_ =	shalt  }
0x79: {  	_ =	shalt  }
0x7a: {  	_ =	shalt  }
0x7b: {  	_ =	shalt  }
0x7c: {  	_ =	shalt  }
0x7d: {  	_ =	shalt  }
0x7e: {  	_ =	shalt  }
0x7f: {  	_ =	shalt  }
0x80: {  	_ =	shalt  }
0x81: {  	_ =	shalt  }
0x82: {  	_ =	shalt  }
0x83: {  	_ =	shalt  }
0x84: {  	_ =	shalt  }
0x85: {  	_ =	shalt  }
0x86: {  	_ =	shalt  }
0x87: {  	_ =	shalt  }
.Lfunc_end0:
.L_simem_size_0:
called_computation_lowered:
.L_overlay_start_0:
0x88: {  	s2 =	sld [smem:$0x3FD9]  }
0x89: {  	s3 =	sld [smem:$0x3FFE];
	_ =	sdelay $0x1  }
0x8a: {  	s1 =	srdreg.scid  }
0x8b: {  	s0 =	sand.u32 $0x1, s1  }
0x8c: {  	s15 =	sshll.u32 s0, $0xA;
	s2 =	sadd.s32 s3, s2  }
0x8d: {  	s2 =	sadd.s32 s2, s15  }
0x8e: {  	[smem:$0x3FC6] =	sst s2  }
0x8f: {  	_ = 	snop  }
0x90: {  	s2 =	sld [smem:$0x3FD0];
	_ =	sdelay $0x2  }
0x91: {  	s16 =	simm.s32 $0xA;
	s4 =	simm.s32 $0x10  }
0x92: {  	[smem:s4], [sflag:s16] =	dma.local [hbm:s2], $0x1  }
0x93: {  	_ =	swait.eq [sflag:s16], $0x1  }
0x94: {  	[sflag:s16] =	ssyncset.done $0x0  }
0x95: {  	s17 =	sld [smem:$0x12];
	[sflag:s16] =	ssyncadd.s32 $0xFFFFFFFF  }
0x96: {  	s18 =	sld [smem:$0x13];
	(tm) =	ssettm $0x1  }
0x97: {  	s19 =	sld [smem:$0x3FFB];
	_ =	sdelay $0x3  }
0x98: {  	_ =	strace s19  }
0x99: {  	s4 =	sld [smem:$0x3FFC];
	_ =	sdelay $0x3  }
0x9a: {  	_ =	strace s4  }
0x9b: {  	s4 =	sld [smem:$0x3FFD];
	_ =	sdelay $0x3  }
0x9c: {  	_ =	strace s4  }
0x9d: {  	_ =	strace $0x8FFFFFFF  }
0x9e: {  	s20 =	sld [smem:$0x3FDB];
	_ =	sdelay $0x1  }
0x9f: {  	s5 =	simm.s32 $_scs_section_size  }
0xa0: {  	s6 =	simm.s32 $_size__tile_overlayer_lowered;
	s7 =	simm.s32 $_tile_overlayer_lowered  }
0xa1: {  	s23 =	simm.s32 $0x1BFF;
	s22 =	sshll.u32 s7, $0x1;
	s4 =	sadd.s32 s5, s20  }
0xa2: {  	s8 =	simm.s32 $0x0;
	s21 =	sshll.u32 s6, $0x1;
	s6 =	sadd.s32 s22, s4  }
0xa3: {  	[timem:s8], [sflag:s23] =	dma.local [hbm:s6], s21  }
0xa4: {  	_ =	swait.ge [sflag:s23], s21  }
0xa5: {  	s5 =	ssub.s32 $0x0, s21;
	[sflag:s23] =	ssyncset.done $0x0  }
0xa6: {  	[sflag:s23] =	ssyncadd.s32 s5;
	_ =	sdelay $0x1  }
0xa7: {  	s24 =	simm.s32 $0x1B8B  }
0xa8: {  	_ =	swait.ge [sflag:s24], $0x1  }
0xa9: {  	[sflag:s24] =	ssyncset.done $0x0  }
0xaa: {  	s25 =	simm.s32 $0x1B8E;
	[sflag:s24] =	ssyncadd.s32 $0xFFFFFFFF  }
0xab: {  	s26 =	simm.s32 $execute0_lowered;
	[smem:$0x3FD2] =	sst s25  }
0xac: {  	s5 =	sshll.u32 s26, $0x1;
	_ =	strace $0x80000046;
	[dreg:$0x1] =	wrdreg $0xFFFFFFFF  }
0xad: {  	s28 =	simm.s32 $_size_execute0_lowered;
	s4 =	sadd.s32 s4, s5;
	[dreg:$0x0] =	wrdreg $0x0  }
0xae: {  	s5 =	sshll.u32 s28, $0x1;
	[dreg:$0x2] =	wrdreg s4  }
0xaf: {  	[dreg:$0x3] =	wrdreg s5  }
0xb0: {  	[dreg:$0x4] =	wrdreg $0xC0  }
0xb1: {  	_ =	task [dreg:s8], $0x5FFFF  }
0xb2: {  	[dreg:$0x1] =	wrdreg $0xFFFFFFFF  }
0xb3: {  	[dreg:$0x0] =	wrdreg $0x60  }
0xb4: {  	[dreg:$0x2] =	wrdreg s17  }
0xb5: {  	[dreg:$0x3] =	wrdreg s18  }
0xb6: {  	[dreg:$0x4] =	wrdreg $0x9  }
0xb7: {  	_ =	task.clear_ibuf [dreg:s8], $0x5FFFF;
	_ =	strace $0x90000046  }
0xb8: {  	s29 =	simm.s32 $0x9;
	_ =	strace $0x80000048  }
0xb9: {  	_ =	swait.ge [sflag:s29], $0x1  }
0xba: {  	[sflag:s29] =	ssyncadd.s32 $0xFFFFFFFF  }
0xbb: {  	_ =	strace $0x90000048  }
0xbc: {  	_ =	sfence  }
0xbd: {  	s30 =	sld [smem:$0x0];
	_ =	sdelay $0x2  }
0xbe: {  	s31 =	sshll.u32 s1, $0xD;
	s1 =	sshrl.u32 s1, $0x2  }
0xbf: {  	s3 =	sand.u32 $0x4000, s31;
	s1 =	sadd.s32 s1, s30  }
0xc0: {  	s0 =	sor.u32 s3, s0;
	s1 =	sshll.u32 s1, $0x11  }
0xc1: {  	s0 =	sor.u32 s1, s0  }
0xc2: {  	s0 =	sadd.s32 $0x8F2B, s0  }
0xc3: {  	[sflag:s0] =	ssyncadd.remote.s32 $0x1  }
0xc4: {  	_ =	sfence.sel $0xFFFF  }
0xc5: {  	[dreg:$0x0] =	wrdreg $0xFFFFFFFF;
	(pc) =	sbr.abs _section_cstart, $3  }
0xc6: {  	[dreg:$0x1] =	wrdreg $0xFFFFFFFF  }
0xc7: {  	_ =	task.clear_ibuf [dreg:s8], $0x2FFFF;
	_ =	strace $0x9FFFFFFF  }
0xc8: {  	(tm) =	ssettm $0x7FFFFFFF  }
0xc9: {  	_ =	shalt  }
tec
execute0_lowered:
.L_overlay_start_1:
0x0: {  	(tag) =	ssettag $0x1  }
0x1: {  	v0 =	vimm.f32 $1.189921280e+01  }
0x2: {  	vm13 =	vcmask $0x300;
	vm6 =	vcmask $0x704;
	v1 =	vimm.f32 $2.448504070e+01  }
0x3: {  	vm7 =	vcmask $0xB08;
	vm8 =	vcmask $0xF0C;
	vm9 =	vcmask $0x1310  }
0x4: {  	vm10 =	vcmask $0x1714;
	vm11 =	vcmask $0x1B18;
	vm14 =	vcmask $0x1F1C  }
0x5: {  	vm12 =	vcmask $0x2320;
	vm5 =	vcmask $0x2724;
	vm4 =	vcmask $0x2B28  }
0x6: {  	vm3 =	vcmask $0x2F2C;
	v3 =	vimm.f32 $3.707086560e+01;
	v4 =	vimm.f32 $4.965669250e+01  }
0x7: {  	s1 =	simm.s32 $0x0;
	v5 =	vimm.f32 $6.224251940e+01;
	v6 =	vimm.f32 $7.482834630e+01;
	v7 =	vimm.f32 $8.741416930e+01  }
0x8: {  	v8 =	vimm.f32 $1.000000000e+02;
	[smem:$0x7FF] =	sst s1;
	v0 =	vsel vm13, $0x3DCCCCCD, v0;
	v1 =	vsel vm13, $0x414AF926, v1  }
0x9: {  	s3 =	rddreg [dreg:$0x0];
	v3 =	vsel vm13, $0x41CA2C59, v3;
	v4 =	vsel vm13, $0x42176E0F, v4;
	v5 =	vsel vm13, $0x4249C5F2, v5  }
0xa: {  	s4 =	rddreg [dreg:$0x1];
	s5 =	srdreg.scid;
	v6 =	vsel vm13, $0x427C1DD5, v6;
	v7 =	vsel vm13, $0x42973ADC, v7;
	v8 =	vsel vm13, $0x42B066CD, v8  }
0xb: {  	s0 =	rddreg [dreg:$0x2];
	s5 =	sand.u32 $0x1, s5;
	_ =	strace $0x80000047;
	v0 =	vsel vm6, $0x3F62F926, v0;
	v1 =	vsel vm6, $0x41578F1F, v1  }
0xc: {  	s2 =	stileid.u32;
	vm1 =	vcmask $0x3330;
	s7 =	sshll.u32 s5, $0xF;
	v3 =	vsel vm6, $0x41D07755, v3;
	v4 =	vsel vm6, $0x421A938D, v4  }
0xd: {  	s6 =	sshll.u32 s2, $0x10;
	v5 =	vsel vm6, $0x424CEB70, v5;
	v6 =	vsel vm6, $0x427F4353, v6;
	v7 =	vsel vm6, $0x4298CD9B, v7  }
0xe: {  	v8 =	vsel vm6, $0x42B1F98D, v8;
	s5 =	ssub.s32 $0x2, s5;
	v0 =	vsel vm7, $0x3FD62C59, v0;
	v1 =	vsel vm7, $0x41642518, v1;
	s6 =	sor.u32 s7, s6  }
0xf: {  	v3 =	vsel vm7, $0x41D6C252, v3;
	v4 =	vsel vm7, $0x421DB90B, v4;
	s31 =	sshrl.u32 s5, $0x1;
	s8 =	sor.u32 $0x1000, s6;
	s10 =	sor.u32 $0x2000, s6  }
0x10: {  	vm0 =	vcmask $0x3734;
	v5 =	vsel vm7, $0x425010EE, v5;
	s12 =	sor.u32 $0x3000, s6;
	s14 =	sor.u32 $0x4000, s6;
	s16 =	sor.u32 $0x5000, s6  }
0x11: {  	v6 =	vsel vm7, $0x42813469, v6;
	v7 =	vsel vm7, $0x429A605A, v7;
	s18 =	sor.u32 $0x6000, s6;
	s19 =	sor.u32 $0x7000, s6;
	s20 =	ssub.s32 s5, s31  }
0x12: {  	v8 =	vsel vm7, $0x42B38C4C, v8;
	v0 =	vsel vm8, $0x401D6E0F, v0;
	v1 =	vsel vm8, $0x4170BB10, v1;
	s5 =	sadd.s32 s3, s6;
	s6 =	sadd.s32 s4, s6;
	s7 =	sadd.s32 s3, s8  }
0x13: {  	v3 =	vsel vm8, $0x41DD0D4E, v3;
	v4 =	vsel vm8, $0x4220DE8A, v4;
	v5 =	vsel vm8, $0x4253366D, v5;
	s8 =	sadd.s32 s4, s8;
	s9 =	sadd.s32 s3, s10;
	s10 =	sadd.s32 s4, s10  }
0x14: {  	v6 =	vsel vm8, $0x4282C728, v6;
	v7 =	vsel vm8, $0x429BF319, v7;
	v8 =	vsel vm8, $0x42B51F0B, v8;
	s11 =	sadd.s32 s3, s12;
	s12 =	sadd.s32 s4, s12;
	s13 =	sadd.s32 s3, s14  }
0x15: {  	v0 =	vsel vm9, $0x404FC5F2, v0;
	v1 =	vsel vm9, $0x417D5109, v1;
	v3 =	vsel vm9, $0x41E3584B, v3;
	s14 =	sadd.s32 s4, s14;
	s15 =	sadd.s32 s3, s16;
	s16 =	sadd.s32 s4, s16  }
0x16: {  	v4 =	vsel vm9, $0x42240408, v4;
	v5 =	vsel vm9, $0x42565BEB, v5;
	v6 =	vsel vm9, $0x428459E7, v6;
	s17 =	sadd.s32 s3, s18;
	s18 =	sadd.s32 s4, s18;
	s3 =	sadd.s32 s3, s19  }
0x17: {  	vm2 =	vcmask $0x3B38;
	v7 =	vsel vm9, $0x429D85D8, v7;
	v8 =	vsel vm9, $0x42B6B1CA, v8;
	s4 =	sadd.s32 s4, s19;
	s19 =	smax.u32 s20, $0x1;
	s20 =	simm.s32 $0x8000  }
0x18: {  	v0 =	vsel vm10, $0x40810EEB, v0;
	v1 =	vsel vm10, $0x4184F381, v1;
	v3 =	vsel vm10, $0x41E9A347, v3  }
0x19: {  	v4 =	vsel vm10, $0x42272986, v4;
	v5 =	vsel vm10, $0x42598169, v5;
	v6 =	vsel vm10, $0x4285ECA6, v6  }
0x1a: {  	v7 =	vsel vm10, $0x429F1897, v7;
	v8 =	vsel vm10, $0x42B84489, v8;
	v0 =	vsel vm11, $0x409A3ADC, v0  }
0x1b: {  	v1 =	vsel vm11, $0x418B3E7D, v1;
	v3 =	vsel vm11, $0x41EFEE43, v3;
	v4 =	vsel vm11, $0x422A4F04, v4  }
0x1c: {  	v5 =	vsel vm11, $0x425CA6E7, v5;
	v6 =	vsel vm11, $0x42877F65, v6;
	v7 =	vsel vm11, $0x42A0AB57, v7  }
0x1d: {  	v8 =	vsel vm11, $0x42B9D748, v8;
	v0 =	vsel vm14, $0x40B366CD, v0;
	v1 =	vsel vm14, $0x4191897A, v1  }
0x1e: {  	v3 =	vsel vm14, $0x41F63940, v3;
	v4 =	vsel vm14, $0x422D7482, v4;
	v5 =	vsel vm14, $0x425FCC65, v5  }
0x1f: {  	v6 =	vsel vm14, $0x42891224, v6;
	v7 =	vsel vm14, $0x42A23E16, v7;
	v8 =	vsel vm14, $0x42BB6A07, v8  }
0x20: {  	v0 =	vsel vm12, $0x40CC92BF, v0;
	v1 =	vsel vm12, $0x4197D476, v1;
	v3 =	vsel vm12, $0x41FC843C, v3  }
0x21: {  	v4 =	vsel vm12, $0x42309A00, v4;
	v5 =	vsel vm12, $0x4262F1E4, v5;
	v6 =	vsel vm12, $0x428AA4E3, v6  }
0x22: {  	v7 =	vsel vm12, $0x42A3D0D5, v7;
	v8 =	vsel vm12, $0x42BCFCC6, v8;
	v0 =	vsel vm5, $0x40E5BEB1, v0  }
0x23: {  	v1 =	vsel vm5, $0x419E1F72, v1;
	v3 =	vsel vm5, $0x4201679C, v3;
	v4 =	vsel vm5, $0x4233BF7F, v4  }
0x24: {  	v5 =	vsel vm5, $0x42661762, v5;
	v6 =	vsel vm5, $0x428C37A2, v6;
	v7 =	vsel vm5, $0x42A56394, v7  }
0x25: {  	v8 =	vsel vm5, $0x42BE8F85, v8;
	v0 =	vsel vm4, $0x40FEEAA2, v0;
	v1 =	vsel vm4, $0x41A46A6F, v1  }
0x26: {  	v3 =	vsel vm4, $0x42048D1A, v3;
	v4 =	vsel vm4, $0x4236E4FD, v4;
	v5 =	vsel vm4, $0x42693CE0, v5  }
0x27: {  	v6 =	vsel vm4, $0x428DCA61, v6;
	v7 =	vsel vm4, $0x42A6F653, v7;
	v8 =	vsel vm4, $0x42C02244, v8  }
0x28: {  	v0 =	vsel vm3, $0x410C0B4A, v0;
	v1 =	vsel vm3, $0x41AAB56B, v1;
	v3 =	vsel vm3, $0x4207B298, v3  }
0x29: {  	v4 =	vsel vm3, $0x423A0A7B, v4;
	v5 =	vsel vm3, $0x426C625E, v5;
	v6 =	vsel vm3, $0x428F5D21, v6  }
0x2a: {  	v7 =	vsel vm3, $0x42A88912, v7;
	v8 =	vsel vm3, $0x42C1B504, v8;
	v0 =	vsel vm1, $0x4118A143, v0  }
0x2b: {  	v1 =	vsel vm1, $0x41B10067, v1;
	v3 =	vsel vm1, $0x420AD816, v3;
	v4 =	vsel vm1, $0x423D2FF9, v4  }
0x2c: {  	v5 =	vsel vm1, $0x426F87DC, v5;
	v6 =	vsel vm1, $0x4290EFE0, v6;
	v7 =	vsel vm1, $0x42AA1BD1, v7  }
0x2d: {  	v8 =	vsel vm1, $0x42C347C3, v8;
	v0 =	vsel vm0, $0x4125373C, v0;
	v2 =	vsel vm0, $0x41B74B64, v1  }
0x2e: {  	v1 =	vimm.f32 $7.866141800e-01;
	v3 =	vsel vm0, $0x420DFD94, v3;
	v4 =	vsel vm0, $0x42405577, v4  }
0x2f: {  	v5 =	vsel vm0, $0x4272AD5A, v5;
	v6 =	vsel vm0, $0x4292829F, v6;
	v7 =	vsel vm0, $0x42ABAE90, v7  }
0x30: {  	v8 =	vsel vm0, $0x42C4DA82, v8;
	v0 =	vsel vm2, $0x4131CD34, v0;
	v2 =	vsel vm2, $0x41BD9660, v2  }
0x31: {  	v3 =	vsel vm2, $0x42112313, v3;
	v4 =	vsel vm2, $0x42437AF6, v4;
	v5 =	vsel vm2, $0x4275D2D9, v5  }
0x32: {  	s21 =	simm.s32 $0x1;
	s22 =	simm.s32 $0x0;
	v6 =	vsel vm2, $0x4294155E, v6;
	v7 =	vsel vm2, $0x42AD414F, v7;
	v8 =	vsel vm2, $0x42C66D41, v8  }
.LBB2_1:
0x33: {  	s23 =	simm.s32 $0x0;
	s24 =	simm.s32 $0x200  }
.LBB2_2:
0x34: {  	p0 =	sne.s32 s24, $0x1FE00;
	[tilespmem:s23+$0x8070] =	vst v1  }
0x35: {  	[tilespmem:s23+$0x0] =	vst v0  }
0x36: {  	[tilespmem:s23+$0x8000] =	vst v1  }
0x37: {  	[tilespmem:s23+$0x10] =	vst v2  }
0x38: {  	[tilespmem:s23+$0x8010] =	vst v1  }
0x39: {  	[tilespmem:s23+$0x20] =	vst v3  }
0x3a: {  	[tilespmem:s23+$0x8020] =	vst v1  }
0x3b: {  	[tilespmem:s23+$0x30] =	vst v4  }
0x3c: {  	[tilespmem:s23+$0x8030] =	vst v1  }
0x3d: {  	[tilespmem:s23+$0x40] =	vst v5  }
0x3e: {  	[tilespmem:s23+$0x8040] =	vst v1  }
.Ltmp0:
0x3f: {  	[tilespmem:s23+$0x50] =	vst v6;
	(pc) =	sbr.rel @p0 .LBB2_2-.Ltmp0, $4  }
0x40: {  	[tilespmem:s23+$0x8050] =	vst v1  }
0x41: {  	[tilespmem:s23+$0x60] =	vst v7  }
0x42: {  	[tilespmem:s23+$0x8060] =	vst v1  }
0x43: {  	[tilespmem:s23+$0x70] =	vst v8;
	s23 =	sshra.s32 s24, $0x2;
	s24 =	sadd.s32 $0x200, s24  }
0x44: {  	[tilespmem:s23+$0x8070] =	vst v1  }
0x45: {  	[tilespmem:s23+$0x0] =	vst v0  }
0x46: {  	[tilespmem:s23+$0x8000] =	vst v1  }
0x47: {  	[tilespmem:s23+$0x10] =	vst v2  }
0x48: {  	[tilespmem:s23+$0x8010] =	vst v1  }
0x49: {  	[tilespmem:s23+$0x20] =	vst v3  }
0x4a: {  	[tilespmem:s23+$0x8020] =	vst v1  }
0x4b: {  	[tilespmem:s23+$0x30] =	vst v4  }
0x4c: {  	[tilespmem:s23+$0x8030] =	vst v1  }
0x4d: {  	[tilespmem:s23+$0x40] =	vst v5  }
0x4e: {  	[tilespmem:s23+$0x8040] =	vst v1  }
0x4f: {  	[tilespmem:s23+$0x50] =	vst v6  }
0x50: {  	[tilespmem:s23+$0x8050] =	vst v1  }
0x51: {  	[tilespmem:s23+$0x60] =	vst v7  }
0x52: {  	[tilespmem:s23+$0x8060] =	vst v1  }
0x53: {  	[tilespmem:s23+$0x70] =	vst v8  }
0x54: {  	[hbm4b:s5+s1] =	stream.linear.scatter [tilespmem:s1], [sflag:$0x1], $0x8000, $0x38;
	[tilespmem:$0x10000] =	vst v63  }
0x55: {  	_ = 	snop  }
0x56: {  	[hbm4b:s6+s1] =	stream.linear.scatter [tilespmem:s20], [sflag:$0x1], $0x8000, $0x38;
	[tilespmem:$0x10000] =	vst v63  }
0x57: {  	_ = 	snop  }
0x58: {  	[hbm4b:s7+s1] =	stream.linear.scatter [tilespmem:s1], [sflag:$0x1], $0x8000, $0x38;
	[tilespmem:$0x10000] =	vst v63  }
0x59: {  	_ = 	snop  }
0x5a: {  	[hbm4b:s8+s1] =	stream.linear.scatter [tilespmem:s20], [sflag:$0x1], $0x8000, $0x38;
	[tilespmem:$0x10000] =	vst v63  }
0x5b: {  	_ = 	snop  }
0x5c: {  	[hbm4b:s9+s1] =	stream.linear.scatter [tilespmem:s1], [sflag:$0x1], $0x8000, $0x38;
	[tilespmem:$0x10000] =	vst v63  }
0x5d: {  	_ = 	snop  }
0x5e: {  	[hbm4b:s10+s1] =	stream.linear.scatter [tilespmem:s20], [sflag:$0x1], $0x8000, $0x38;
	[tilespmem:$0x10000] =	vst v63  }
0x5f: {  	_ = 	snop  }
0x60: {  	[hbm4b:s11+s1] =	stream.linear.scatter [tilespmem:s1], [sflag:$0x1], $0x8000, $0x38;
	[tilespmem:$0x10000] =	vst v63  }
0x61: {  	_ = 	snop  }
0x62: {  	[hbm4b:s12+s1] =	stream.linear.scatter [tilespmem:s20], [sflag:$0x1], $0x8000, $0x38;
	[tilespmem:$0x10000] =	vst v63  }
0x63: {  	_ = 	snop  }
0x64: {  	[hbm4b:s13+s1] =	stream.linear.scatter [tilespmem:s1], [sflag:$0x1], $0x8000, $0x38;
	[tilespmem:$0x10000] =	vst v63  }
0x65: {  	_ = 	snop  }
0x66: {  	[hbm4b:s14+s1] =	stream.linear.scatter [tilespmem:s20], [sflag:$0x1], $0x8000, $0x38;
	[tilespmem:$0x10000] =	vst v63  }
0x67: {  	_ = 	snop  }
0x68: {  	[hbm4b:s15+s1] =	stream.linear.scatter [tilespmem:s1], [sflag:$0x1], $0x8000, $0x38;
	[tilespmem:$0x10000] =	vst v63  }
0x69: {  	_ = 	snop  }
0x6a: {  	[hbm4b:s16+s1] =	stream.linear.scatter [tilespmem:s20], [sflag:$0x1], $0x8000, $0x38;
	[tilespmem:$0x10000] =	vst v63  }
0x6b: {  	_ = 	snop  }
0x6c: {  	[hbm4b:s17+s1] =	stream.linear.scatter [tilespmem:s1], [sflag:$0x1], $0x8000, $0x38;
	[tilespmem:$0x10000] =	vst v63  }
0x6d: {  	_ = 	snop  }
0x6e: {  	[hbm4b:s18+s1] =	stream.linear.scatter [tilespmem:s20], [sflag:$0x1], $0x8000, $0x38;
	[tilespmem:$0x10000] =	vst v63  }
0x6f: {  	_ = 	snop  }
0x70: {  	[hbm4b:s3+s1] =	stream.linear.scatter [tilespmem:s1], [sflag:$0x1], $0x8000, $0x38;
	[tilespmem:$0x10000] =	vst v63  }
0x71: {  	_ = 	snop  }
0x72: {  	[hbm4b:s4+s1] =	stream.linear.scatter [tilespmem:s20], [sflag:$0x1], $0x8000, $0x38;
	[tilespmem:$0x10000] =	vst v63  }
0x73: {  	_ =	swait.ge [sflag:s21], $0x8000  }
0x74: {  	[sflag:s21] =	ssyncset.done $0x0  }
0x75: {  	[sflag:s21] =	ssyncadd.s32 $0xFFFF8000  }
0x76: {  	_ =	swait.ge [sflag:s21], $0x8000  }
0x77: {  	[sflag:s21] =	ssyncset.done $0x0  }
0x78: {  	[sflag:s21] =	ssyncadd.s32 $0xFFFF8000  }
0x79: {  	_ =	swait.ge [sflag:s21], $0x8000  }
0x7a: {  	[sflag:s21] =	ssyncset.done $0x0  }
0x7b: {  	[sflag:s21] =	ssyncadd.s32 $0xFFFF8000  }
0x7c: {  	_ =	swait.ge [sflag:s21], $0x8000  }
0x7d: {  	[sflag:s21] =	ssyncset.done $0x0  }
0x7e: {  	[sflag:s21] =	ssyncadd.s32 $0xFFFF8000  }
0x7f: {  	_ =	swait.ge [sflag:s21], $0x8000  }
0x80: {  	[sflag:s21] =	ssyncset.done $0x0  }
0x81: {  	[sflag:s21] =	ssyncadd.s32 $0xFFFF8000  }
0x82: {  	_ =	swait.ge [sflag:s21], $0x8000  }
0x83: {  	[sflag:s21] =	ssyncset.done $0x0  }
0x84: {  	[sflag:s21] =	ssyncadd.s32 $0xFFFF8000  }
0x85: {  	_ =	swait.ge [sflag:s21], $0x8000  }
0x86: {  	[sflag:s21] =	ssyncset.done $0x0  }
0x87: {  	[sflag:s21] =	ssyncadd.s32 $0xFFFF8000  }
0x88: {  	_ =	swait.ge [sflag:s21], $0x8000  }
0x89: {  	[sflag:s21] =	ssyncset.done $0x0  }
0x8a: {  	[sflag:s21] =	ssyncadd.s32 $0xFFFF8000  }
0x8b: {  	_ =	swait.ge [sflag:s21], $0x8000  }
0x8c: {  	[sflag:s21] =	ssyncset.done $0x0  }
0x8d: {  	[sflag:s21] =	ssyncadd.s32 $0xFFFF8000  }
0x8e: {  	_ =	swait.ge [sflag:s21], $0x8000  }
0x8f: {  	[sflag:s21] =	ssyncset.done $0x0  }
0x90: {  	[sflag:s21] =	ssyncadd.s32 $0xFFFF8000  }
0x91: {  	_ =	swait.ge [sflag:s21], $0x8000  }
0x92: {  	[sflag:s21] =	ssyncset.done $0x0  }
0x93: {  	[sflag:s21] =	ssyncadd.s32 $0xFFFF8000  }
0x94: {  	_ =	swait.ge [sflag:s21], $0x8000  }
0x95: {  	[sflag:s21] =	ssyncset.done $0x0  }
0x96: {  	[sflag:s21] =	ssyncadd.s32 $0xFFFF8000  }
0x97: {  	_ =	swait.ge [sflag:s21], $0x8000  }
0x98: {  	[sflag:s21] =	ssyncset.done $0x0  }
0x99: {  	[sflag:s21] =	ssyncadd.s32 $0xFFFF8000  }
0x9a: {  	_ =	swait.ge [sflag:s21], $0x8000  }
0x9b: {  	[sflag:s21] =	ssyncset.done $0x0  }
0x9c: {  	s22 =	sadd.s32 $0x1, s22;
	[sflag:s21] =	ssyncadd.s32 $0xFFFF8000  }
0x9d: {  	p0 =	sne.s32 s22, s19;
	_ =	swait.ge [sflag:s21], $0x8000  }
.Ltmp1:
0x9e: {  	[sflag:s21] =	ssyncset.done $0x0;
	(pc) =	sbr.rel @p0 .LBB2_1-.Ltmp1, $4  }
0x9f: {  	[sflag:s21] =	ssyncadd.s32 $0xFFFF8000  }
0xa0: {  	_ =	swait.ge [sflag:s21], $0x8000  }
0xa1: {  	[sflag:s21] =	ssyncset.done $0x0  }
0xa2: {  	[sflag:s21] =	ssyncadd.s32 $0xFFFF8000  }
0xa3: {  	_ =	sfence.sel $0x180000  }
0xa4: {  	[bflag:$0x0] =	sbarrier.arrive $0xFFFF  }
0xa5: {  	p0 =	sne.s32 s2, $0x0;
	_ =	strace $0x90000047  }
0xa6: {  	s0 =	sadd.s32 @!p0 $0x100000, s0;
	[bflag:$0x2] =	sbarrier.arrive $0xFFFF  }
0xa7: {  	[sflag:s0] =	ssyncadd.tile.s32 @!p0 $0x1;
	_ =	shalt  }
.Lfunc_end2:
_tile_overlayer_lowered:
.L_overlay_start_2:
0xa8: {  	(tag) =	ssettag $0x2  }
0xa9: {  	s0 =	rddreg [dreg:$0x0];
	s2 =	stileid.u32  }
0xaa: {  	s1 =	rddreg [dreg:$0x1];
	p0 =	sne.s32 s2, $0x0  }
0xab: {  	s3 =	rddreg [dreg:$0x2];
	[bflag:$0x3] =	sbarrier.arrive $0xFFFF;
	s2 =	simm.s32 @!p0 $0x1C02  }
0xac: {  	[timem:s3], [sflag:s2] =	dma.local @!p0 [hbm:s0], s1  }
0xad: {  	s0 =	simm.s32 @!p0 $0x2  }
0xae: {  	_ =	swait.ge @!p0 [sflag:s0], s1  }
0xaf: {  	s1 =	ssub.s32 @!p0 $0x0, s1;
	[sflag:s0] =	ssyncset.done @!p0 $0x0  }
0xb0: {  	[sflag:s0] =	ssyncadd.s32 @!p0 s1  }
0xb1: {  	[bflag:$0x3] =	sbarrier.arrive $0xFFFF  }
0xb2: {  	_ =	shalt  }

</sc_bundles>
